<compile_context>
chip_gen: v7x
topology: tpu7x:2x2x1
jax: 0.10.2.dev20260603
libtpu: 0.0.44.dev20260713+nightly
codegen_flags: <defaults>
</compile_context>

<pallas_src>
import functools

import jax
import jax.numpy as jnp
from jax import lax
from jax.experimental import pallas as pl
from jax.experimental.pallas import tpu as pltpu
from jax.experimental.pallas import tpu_sc as plsc

_N_CORES = 2
_N_SUBCORES = 16
_N_WORKERS = _N_CORES * _N_SUBCORES
_CHUNK = 128



def _make_agg(table_rows, acc_rows, d, e_per_w):
    nchunk = e_per_w // _CHUNK
    rows_per_tile = acc_rows // _N_SUBCORES
    zcopies = rows_per_tile // _CHUNK
    mesh = plsc.VectorSubcoreMesh(core_axis_name="c", subcore_axis_name="s")

    @functools.partial(
        pl.kernel,
        mesh=mesh,
        compiler_params=pltpu.CompilerParams(use_tc_tiling_on_sc=False),
        out_type=jax.ShapeDtypeStruct((_N_CORES, acc_rows, d), jnp.float32),
        scratch_types=[
            pltpu.VMEM((_CHUNK, d), jnp.float32),
            pltpu.VMEM((_CHUNK, d), jnp.float32),
            pltpu.VMEM((e_per_w,), jnp.int32),
            pltpu.VMEM((_CHUNK,), jnp.int32),
            pltpu.VMEM((_CHUNK,), jnp.int32),
            pltpu.VMEM_SHARED((acc_rows, d), jnp.float32),
            pltpu.SemaphoreType.DMA,
            pltpu.SemaphoreType.DMA,
            pltpu.SemaphoreType.DMA,
            pltpu.SemaphoreType.DMA,
        ],
    )
    def agg(g_hbm, src_hbm, dst_hbm, out_hbm,
            rows_a, rows_b, src_w, da, db, acc, sem_a, sem_b, sem_ia, sem_ib):
        cid = lax.axis_index("c")
        sid = lax.axis_index("s")
        wid = sid * _N_CORES + cid
        base = wid * e_per_w
        my_row0 = sid * rows_per_tile

        def _zero_row(i, carry):
            for j in range(d // 16):
                rows_a[i, pl.ds(j * 16, 16)] = jnp.zeros((16,), jnp.float32)
            return carry

        lax.fori_loop(0, _CHUNK, _zero_row, 0)
        for k in range(zcopies):
            pltpu.sync_copy(rows_a, acc.at[pl.ds(my_row0 + k * _CHUNK, _CHUNK)])
        plsc.subcore_barrier()

        pltpu.sync_copy(src_hbm.at[pl.ds(base, e_per_w)], src_w)

        def _fire_dst(c, dref, sem):
            pltpu.async_copy(dst_hbm.at[pl.ds(base + c * _CHUNK, _CHUNK)],
                             dref, sem)

        def _wait_dst(dref, sem):
            pltpu.make_async_copy(dst_hbm.at[pl.ds(base, _CHUNK)],
                                  dref, sem).wait()

        def _fire(c, rbuf, sem):
            pltpu.async_copy(g_hbm.at[src_w.at[pl.ds(c * _CHUNK, _CHUNK)]],
                             rbuf, sem)

        def _drain(rbuf, dref, sem):
            pltpu.make_async_copy(
                g_hbm.at[src_w.at[pl.ds(0, _CHUNK)]], rbuf, sem).wait()
            pltpu.sync_copy(rbuf, acc.at[dref], add=True)

        _fire_dst(0, da, sem_ia)
        _fire_dst(1, db, sem_ib)
        _fire(0, rows_a, sem_a)

        def _pair(t, carry):
            c0 = t * 2
            c1 = c0 + 1
            _fire(c1, rows_b, sem_b)
            _wait_dst(da, sem_ia)
            _drain(rows_a, da, sem_a)

            @pl.when(c0 + 2 < nchunk)
            def _():
                _fire_dst(c0 + 2, da, sem_ia)
                _fire(c0 + 2, rows_a, sem_a)

            _wait_dst(db, sem_ib)
            _drain(rows_b, db, sem_b)

            @pl.when(c1 + 2 < nchunk)
            def _():
                _fire_dst(c1 + 2, db, sem_ib)

            return carry

        lax.fori_loop(0, nchunk // 2, _pair, 0)

        plsc.subcore_barrier()
        pltpu.sync_copy(acc.at[pl.ds(my_row0, rows_per_tile)],
                        out_hbm.at[cid, pl.ds(my_row0, rows_per_tile)])

    return agg


def _make_deg(acc_rows, d, e_per_w):
    nchunk = e_per_w // _CHUNK
    rows_per_tile = acc_rows // _N_SUBCORES
    zcopies = rows_per_tile // _CHUNK
    mesh = plsc.VectorSubcoreMesh(core_axis_name="c", subcore_axis_name="s")

    @functools.partial(
        pl.kernel,
        mesh=mesh,
        compiler_params=pltpu.CompilerParams(use_tc_tiling_on_sc=False),
        out_type=jax.ShapeDtypeStruct((_N_CORES, acc_rows, d), jnp.float32),
        scratch_types=[
            pltpu.VMEM((_CHUNK, d), jnp.float32),
            pltpu.VMEM((_CHUNK,), jnp.int32),
            pltpu.VMEM((_CHUNK,), jnp.int32),
            pltpu.VMEM_SHARED((acc_rows, d), jnp.float32),
            pltpu.SemaphoreType.DMA,
            pltpu.SemaphoreType.DMA,
            pltpu.SemaphoreType.DMA,
            pltpu.SemaphoreType.DMA,
        ],
    )
    def deg(dst_hbm, out_hbm, ones_v, da, db, acc,
            sem_sa, sem_sb, sem_ia, sem_ib):
        cid = lax.axis_index("c")
        sid = lax.axis_index("s")
        wid = sid * _N_CORES + cid
        base = wid * e_per_w
        my_row0 = sid * rows_per_tile

        def _fill_row(i, carry):
            for j in range(d // 16):
                ones_v[i, pl.ds(j * 16, 16)] = jnp.zeros((16,), jnp.float32)
            return carry

        lax.fori_loop(0, _CHUNK, _fill_row, 0)
        for k in range(zcopies):
            pltpu.sync_copy(ones_v, acc.at[pl.ds(my_row0 + k * _CHUNK, _CHUNK)])
        plsc.subcore_barrier()

        def _ones_row(i, carry):
            for j in range(d // 16):
                ones_v[i, pl.ds(j * 16, 16)] = jnp.ones((16,), jnp.float32)
            return carry

        lax.fori_loop(0, _CHUNK, _ones_row, 0)

        def _fire_dst(c, dref, sem):
            pltpu.async_copy(dst_hbm.at[pl.ds(base + c * _CHUNK, _CHUNK)],
                             dref, sem)

        def _wait_dst(dref, sem):
            pltpu.make_async_copy(dst_hbm.at[pl.ds(base, _CHUNK)],
                                  dref, sem).wait()

        def _fire_scatter(dref, sem):
            pltpu.async_copy(ones_v, acc.at[dref], sem, add=True)

        def _wait_scatter(dref, sem):
            pltpu.make_async_copy(ones_v, acc.at[dref], sem).wait()

        _fire_dst(0, da, sem_ia)
        _fire_dst(1, db, sem_ib)

        def _pair(t, carry):
            c0 = t * 2
            c1 = c0 + 1
            _wait_dst(da, sem_ia)
            _fire_scatter(da, sem_sa)
            _wait_dst(db, sem_ib)
            _fire_scatter(db, sem_sb)
            _wait_scatter(da, sem_sa)

            @pl.when(c0 + 2 < nchunk)
            def _():
                _fire_dst(c0 + 2, da, sem_ia)

            _wait_scatter(db, sem_sb)

            @pl.when(c1 + 2 < nchunk)
            def _():
                _fire_dst(c1 + 2, db, sem_ib)

            return carry

        lax.fori_loop(0, nchunk // 2, _pair, 0)

        plsc.subcore_barrier()
        pltpu.sync_copy(acc.at[pl.ds(my_row0, rows_per_tile)],
                        out_hbm.at[cid, pl.ds(my_row0, rows_per_tile)])

    return deg



_BLK = 1000


def _deg_inv(degp_blk):
    deg = degp_blk[0, :, 0:1] + degp_blk[1, :, 0:1] + 1.0
    return lax.rsqrt(deg)


def _tc1_body(x_ref, w1_ref, degp_ref, g_ref):
    dinv = _deg_inv(degp_ref[...])
    h = jnp.dot(x_ref[...], w1_ref[...],
                preferred_element_type=jnp.float32,
                precision=lax.Precision.HIGHEST)
    g_ref[...] = h * dinv


def _tc2_body(acc_ref, g_ref, degp_ref, w2_ref, b1_ref, g2_ref):
    dinv = _deg_inv(degp_ref[...])
    pre = dinv * (acc_ref[0] + acc_ref[1] + g_ref[...]) + b1_ref[...]
    mid = jnp.maximum(pre, 0.0)
    z = jnp.dot(mid, w2_ref[...],
                preferred_element_type=jnp.float32,
                precision=lax.Precision.HIGHEST)
    g2_ref[...] = z * dinv


def _tc3_body(acc_ref, g2_ref, degp_ref, b2_ref, out_ref):
    dinv = _deg_inv(degp_ref[...])
    out_ref[...] = dinv * (acc_ref[0] + acc_ref[1] + g2_ref[...]) + b2_ref[...]


def _row_spec(d):
    return pl.BlockSpec((_BLK, d), lambda i: (i, 0))


def _acc_spec(d):
    return pl.BlockSpec((_N_CORES, _BLK, d), lambda i: (0, i, 0))


def _full_spec(shape):
    return pl.BlockSpec(shape, lambda i: tuple(0 for _ in shape))


def _tc1(x, w1, degp, n):
    return pl.pallas_call(
        _tc1_body,
        grid=(n // _BLK,),
        in_specs=[_row_spec(128), _full_spec((128, 128)), _acc_spec(16)],
        out_specs=_row_spec(128),
        out_shape=jax.ShapeDtypeStruct((n, 128), jnp.float32),
    )(x, w1, degp)


def _tc2(acc_a, g, degp, w2p, b1r, n):
    return pl.pallas_call(
        _tc2_body,
        grid=(n // _BLK,),
        in_specs=[_acc_spec(128), _row_spec(128), _acc_spec(16),
                  _full_spec((128, 16)), _full_spec((1, 128))],
        out_specs=_row_spec(16),
        out_shape=jax.ShapeDtypeStruct((n, 16), jnp.float32),
    )(acc_a, g, degp, w2p, b1r)


def _tc3(acc_b, g2, degp, b2r, n):
    return pl.pallas_call(
        _tc3_body,
        grid=(n // _BLK,),
        in_specs=[_acc_spec(16), _row_spec(16), _acc_spec(16),
                  _full_spec((1, 16))],
        out_specs=_row_spec(16),
        out_shape=jax.ShapeDtypeStruct((n, 16), jnp.float32),
    )(acc_b, g2, degp, b2r)



def kernel(x, edge_index, W1, b1, W2, b2):
    n = x.shape[0]
    e = edge_index.shape[1]
    acc_rows = 10240
    e_per_w = -(-e // (_N_WORKERS * 2 * _CHUNK)) * (2 * _CHUNK)
    ep = _N_WORKERS * e_per_w

    pad_e = ep - e
    idx = jnp.arange(pad_e, dtype=jnp.int32)
    srcp = jnp.concatenate([edge_index[0], idx % n])
    dstp = jnp.concatenate([edge_index[1], n + idx % (acc_rows - n)])

    w2p = jnp.zeros((128, 16), jnp.float32).at[:, : W2.shape[1]].set(W2)
    b1r = b1.reshape(1, 128)
    b2r = jnp.zeros((1, 16), jnp.float32).at[0, : b2.shape[0]].set(b2)

    degp = _make_deg(acc_rows, 16, e_per_w)(dstp)
    g = _tc1(x, W1, degp, n)
    acc_a = _make_agg(n, acc_rows, 128, e_per_w)(g, srcp, dstp)
    g2 = _tc2(acc_a, g, degp, w2p, b1r, n)
    acc_b = _make_agg(n, acc_rows, 16, e_per_w)(g2, srcp, dstp)
    out16 = _tc3(acc_b, g2, degp, b2r, n)
    return out16[:, : W2.shape[1]]

# --- scband reference (transcript-rebuilt; emitter-appended) ---
"""Pipeline reference for scband-gcn-60370060312856 (READ-ONLY COPY).

The authoritative reference and input builder live on the scoring server;
editing this copy changes nothing except your own understanding.
"""

import jax, jax.numpy as jnp
import numpy as np

N = 10000
E = 320000
D_IN = 128
HID = 128
CLS = 7


def gcn_layer(x, edge_index, W, b):
    # GCNConv: D^{-1/2} (A + I) D^{-1/2} X W + b  (add self-loops, symmetric norm)
    n = x.shape[0]
    loop = jnp.arange(n, dtype=edge_index.dtype)
    src = jnp.concatenate([edge_index[0], loop])
    dst = jnp.concatenate([edge_index[1], loop])
    deg = jnp.zeros((n,), x.dtype).at[dst].add(1.0)
    dinv = jnp.where(deg > 0, jax.lax.rsqrt(deg), 0.0)
    norm = dinv[src] * dinv[dst]
    h = x @ W
    msg = h[src] * norm[:, None]
    out = jnp.zeros((n, W.shape[1]), x.dtype).at[dst].add(msg)
    return out + b


def setup_inputs(seed: int = 0) -> dict:
    key = jax.random.key(seed)
    k1, k2, k3, k4, k5, k6 = jax.random.split(key, 6)
    x = jax.random.normal(k1, (N, D_IN), dtype=jnp.float32)
    edge_index = jax.random.randint(k2, (2, E), 0, N, dtype=jnp.int32)
    W1 = jax.random.normal(k3, (D_IN, HID), dtype=jnp.float32) * (1.0 / np.sqrt(D_IN))
    b1 = jnp.zeros((HID,), dtype=jnp.float32)
    W2 = jax.random.normal(k4, (HID, CLS), dtype=jnp.float32) * (1.0 / np.sqrt(HID))
    b2 = jnp.zeros((CLS,), dtype=jnp.float32)
    return {"x": x, "edge_index": edge_index, "W1": W1, "b1": b1, "W2": W2, "b2": b2}


def reference(x, edge_index, W1, b1, W2, b2):
    h = gcn_layer(x, edge_index, W1, b1)
    h = jax.nn.relu(h)
    # F.dropout with training=False is identity (eval mode)
    out = gcn_layer(h, edge_index, W2, b2)
    return out

if __name__ == "__main__":
    import jax
    _d = setup_inputs()
    print(jax.jit(kernel)(*tuple(_d.values())))

</pallas_src>

<mosaic_0001>
#map = affine_map<(d0, d1) -> (0)>
#map1 = affine_map<(d0, d1) -> (0, 0, 0)>
module attributes {stable_mosaic.version = 14 : i64} {
  func.func @deg(%arg0: i32, %arg1: i32, %arg2: memref<327680xi32, #tpu.memory_space<hbm>>, %arg3: memref<2x10240x16xf32, #tpu.memory_space<hbm>>, %arg4: memref<128x16xf32, #tpu.memory_space<vmem>>, %arg5: memref<128xi32, #tpu.memory_space<vmem>>, %arg6: memref<128xi32, #tpu.memory_space<vmem>>, %arg7: memref<10240x16xf32, #tpu.memory_space<vmem_shared>>, %arg8: memref<!tpu.dma_semaphore, #tpu.memory_space<semaphore_mem>>, %arg9: memref<!tpu.dma_semaphore, #tpu.memory_space<semaphore_mem>>, %arg10: memref<!tpu.dma_semaphore, #tpu.memory_space<semaphore_mem>>, %arg11: memref<!tpu.dma_semaphore, #tpu.memory_space<semaphore_mem>>) attributes {dimension_semantics = [#tpu.dimension_semantics<core_parallel>, #tpu.dimension_semantics<subcore_parallel>], iteration_bounds = array<i64: 2, 16>, scalar_prefetch = 0 : i64, scratch_operands = 8 : i64, tpu.core_type = #tpu.core_type<sc_vector_subcore>, window_params = [{transform_indices = #map}, {transform_indices = #map1}]} {
    %mul3A = arith.constant 2 : i32
    %mul3A_0 = arith.muli %arg1, %mul3A : i32
    %add3A = arith.addi %mul3A_0, %arg0 : i32
    %mul3A_1 = arith.constant 10240 : i32
    %mul3A_2 = arith.muli %add3A, %mul3A_1 : i32
    %mul3A_3 = arith.constant 640 : i32
    %mul3A_4 = arith.muli %arg1, %mul3A_3 : i32
    %scan3A = arith.constant 0 : i32
    %scan3A_5 = arith.constant 0 : i32
    %scan3A_6 = arith.constant 128 : i32
    %scan3A_7 = arith.addi %scan3A_5, %scan3A_6 : i32
    %scan3A_8 = arith.constant 1 : i32
    scf.for %scan3A_40 = %scan3A_5 to %scan3A_7 step %scan3A_8  : i32 {
      %broadcast_in_dim3A = arith.constant 0.000000e+00 : f32
      %broadcast_in_dim3A_41 = vector.broadcast %broadcast_in_dim3A : f32 to vector<16xf32>
      %swap3A = arith.index_cast %scan3A_40 : i32 to index
      %swap3A_42 = arith.constant 0 : index
      %swap3A_43 = tpu.vector_load %arg4[%swap3A, %swap3A_42] {strides = array<i32>} : memref<128x16xf32, #tpu.memory_space<vmem>>, vector<1x16xf32>,
      %swap3A_44 = vector.shape_cast %swap3A_43 : vector<1x16xf32> to vector<16xf32>
      %swap3A_45 = vector.shape_cast %broadcast_in_dim3A_41 : vector<16xf32> to vector<1x16xf32>
      tpu.vector_store %arg4[%swap3A, %swap3A_42], %swap3A_45 {strides = array<i32>} : memref<128x16xf32, #tpu.memory_space<vmem>>, vector<1x16xf32>,
    }
    %scan3A_9 = arith.constant 128 : i32
    %add3A_10 = arith.constant 0 : i32
    %add3A_11 = arith.addi %mul3A_4, %add3A_10 : i32
    "tpu.region"() ({
      %run_scoped3A = tpu.sem_alloc : memref<!tpu.dma_semaphore, #tpu.memory_space<semaphore_mem>>
      %dma_start3A_40 = arith.constant 0 : i32
      %dma_start3A_41 = tpu.memref_slice %arg7[%add3A_11, %dma_start3A_40] : memref<10240x16xf32, #tpu.memory_space<vmem_shared>> -> memref<128x16xf32, #tpu.memory_space<vmem_shared>>
      %dma_start3A_42 = arith.constant 0 : i32
      %dma_start3A_43 = tpu.memref_slice %arg7[%add3A_11, %dma_start3A_42] : memref<10240x16xf32, #tpu.memory_space<vmem_shared>> -> memref<128x16xf32, #tpu.memory_space<vmem_shared>>
      tpu.enqueue_dma source(%arg4 : memref<128x16xf32, #tpu.memory_space<vmem>>) target(%dma_start3A_43 : memref<128x16xf32, #tpu.memory_space<vmem_shared>>) target_semaphore(%run_scoped3A : memref<!tpu.dma_semaphore, #tpu.memory_space<semaphore_mem>>)
      %dma_wait3A = arith.constant 0 : i32
      %dma_wait3A_44 = tpu.memref_slice %arg7[%add3A_11, %dma_wait3A] : memref<10240x16xf32, #tpu.memory_space<vmem_shared>> -> memref<128x16xf32, #tpu.memory_space<vmem_shared>>
      %dma_wait3A_45 = arith.constant 0 : i32
      %dma_wait3A_46 = tpu.memref_slice %arg7[%add3A_11, %dma_wait3A_45] : memref<10240x16xf32, #tpu.memory_space<vmem_shared>> -> memref<128x16xf32, #tpu.memory_space<vmem_shared>>
      tpu.wait_dma2 semaphore(%run_scoped3A : memref<!tpu.dma_semaphore, #tpu.memory_space<semaphore_mem>>) src(%arg4 : memref<128x16xf32, #tpu.memory_space<vmem>>) dst(%dma_wait3A_46 : memref<128x16xf32, #tpu.memory_space<vmem_shared>>)
      tpu.yield
    }) : () -> ()
    %add3A_12 = arith.constant 128 : i32
    %add3A_13 = arith.addi %mul3A_4, %add3A_12 : i32
    "tpu.region"() ({
      %run_scoped3A = tpu.sem_alloc : memref<!tpu.dma_semaphore, #tpu.memory_space<semaphore_mem>>
      %dma_start3A_40 = arith.constant 0 : i32
      %dma_start3A_41 = tpu.memref_slice %arg7[%add3A_13, %dma_start3A_40] : memref<10240x16xf32, #tpu.memory_space<vmem_shared>> -> memref<128x16xf32, #tpu.memory_space<vmem_shared>>
      %dma_start3A_42 = arith.constant 0 : i32
      %dma_start3A_43 = tpu.memref_slice %arg7[%add3A_13, %dma_start3A_42] : memref<10240x16xf32, #tpu.memory_space<vmem_shared>> -> memref<128x16xf32, #tpu.memory_space<vmem_shared>>
      tpu.enqueue_dma source(%arg4 : memref<128x16xf32, #tpu.memory_space<vmem>>) target(%dma_start3A_43 : memref<128x16xf32, #tpu.memory_space<vmem_shared>>) target_semaphore(%run_scoped3A : memref<!tpu.dma_semaphore, #tpu.memory_space<semaphore_mem>>)
      %dma_wait3A = arith.constant 0 : i32
      %dma_wait3A_44 = tpu.memref_slice %arg7[%add3A_13, %dma_wait3A] : memref<10240x16xf32, #tpu.memory_space<vmem_shared>> -> memref<128x16xf32, #tpu.memory_space<vmem_shared>>
      %dma_wait3A_45 = arith.constant 0 : i32
      %dma_wait3A_46 = tpu.memref_slice %arg7[%add3A_13, %dma_wait3A_45] : memref<10240x16xf32, #tpu.memory_space<vmem_shared>> -> memref<128x16xf32, #tpu.memory_space<vmem_shared>>
      tpu.wait_dma2 semaphore(%run_scoped3A : memref<!tpu.dma_semaphore, #tpu.memory_space<semaphore_mem>>) src(%arg4 : memref<128x16xf32, #tpu.memory_space<vmem>>) dst(%dma_wait3A_46 : memref<128x16xf32, #tpu.memory_space<vmem_shared>>)
      tpu.yield
    }) : () -> ()
    %add3A_14 = arith.constant 256 : i32
    %add3A_15 = arith.addi %mul3A_4, %add3A_14 : i32
    "tpu.region"() ({
      %run_scoped3A = tpu.sem_alloc : memref<!tpu.dma_semaphore, #tpu.memory_space<semaphore_mem>>
      %dma_start3A_40 = arith.constant 0 : i32
      %dma_start3A_41 = tpu.memref_slice %arg7[%add3A_15, %dma_start3A_40] : memref<10240x16xf32, #tpu.memory_space<vmem_shared>> -> memref<128x16xf32, #tpu.memory_space<vmem_shared>>
      %dma_start3A_42 = arith.constant 0 : i32
      %dma_start3A_43 = tpu.memref_slice %arg7[%add3A_15, %dma_start3A_42] : memref<10240x16xf32, #tpu.memory_space<vmem_shared>> -> memref<128x16xf32, #tpu.memory_space<vmem_shared>>
      tpu.enqueue_dma source(%arg4 : memref<128x16xf32, #tpu.memory_space<vmem>>) target(%dma_start3A_43 : memref<128x16xf32, #tpu.memory_space<vmem_shared>>) target_semaphore(%run_scoped3A : memref<!tpu.dma_semaphore, #tpu.memory_space<semaphore_mem>>)
      %dma_wait3A = arith.constant 0 : i32
      %dma_wait3A_44 = tpu.memref_slice %arg7[%add3A_15, %dma_wait3A] : memref<10240x16xf32, #tpu.memory_space<vmem_shared>> -> memref<128x16xf32, #tpu.memory_space<vmem_shared>>
      %dma_wait3A_45 = arith.constant 0 : i32
      %dma_wait3A_46 = tpu.memref_slice %arg7[%add3A_15, %dma_wait3A_45] : memref<10240x16xf32, #tpu.memory_space<vmem_shared>> -> memref<128x16xf32, #tpu.memory_space<vmem_shared>>
      tpu.wait_dma2 semaphore(%run_scoped3A : memref<!tpu.dma_semaphore, #tpu.memory_space<semaphore_mem>>) src(%arg4 : memref<128x16xf32, #tpu.memory_space<vmem>>) dst(%dma_wait3A_46 : memref<128x16xf32, #tpu.memory_space<vmem_shared>>)
      tpu.yield
    }) : () -> ()
    %add3A_16 = arith.constant 384 : i32
    %add3A_17 = arith.addi %mul3A_4, %add3A_16 : i32
    "tpu.region"() ({
      %run_scoped3A = tpu.sem_alloc : memref<!tpu.dma_semaphore, #tpu.memory_space<semaphore_mem>>
      %dma_start3A_40 = arith.constant 0 : i32
      %dma_start3A_41 = tpu.memref_slice %arg7[%add3A_17, %dma_start3A_40] : memref<10240x16xf32, #tpu.memory_space<vmem_shared>> -> memref<128x16xf32, #tpu.memory_space<vmem_shared>>
      %dma_start3A_42 = arith.constant 0 : i32
      %dma_start3A_43 = tpu.memref_slice %arg7[%add3A_17, %dma_start3A_42] : memref<10240x16xf32, #tpu.memory_space<vmem_shared>> -> memref<128x16xf32, #tpu.memory_space<vmem_shared>>
      tpu.enqueue_dma source(%arg4 : memref<128x16xf32, #tpu.memory_space<vmem>>) target(%dma_start3A_43 : memref<128x16xf32, #tpu.memory_space<vmem_shared>>) target_semaphore(%run_scoped3A : memref<!tpu.dma_semaphore, #tpu.memory_space<semaphore_mem>>)
      %dma_wait3A = arith.constant 0 : i32
      %dma_wait3A_44 = tpu.memref_slice %arg7[%add3A_17, %dma_wait3A] : memref<10240x16xf32, #tpu.memory_space<vmem_shared>> -> memref<128x16xf32, #tpu.memory_space<vmem_shared>>
      %dma_wait3A_45 = arith.constant 0 : i32
      %dma_wait3A_46 = tpu.memref_slice %arg7[%add3A_17, %dma_wait3A_45] : memref<10240x16xf32, #tpu.memory_space<vmem_shared>> -> memref<128x16xf32, #tpu.memory_space<vmem_shared>>
      tpu.wait_dma2 semaphore(%run_scoped3A : memref<!tpu.dma_semaphore, #tpu.memory_space<semaphore_mem>>) src(%arg4 : memref<128x16xf32, #tpu.memory_space<vmem>>) dst(%dma_wait3A_46 : memref<128x16xf32, #tpu.memory_space<vmem_shared>>)
      tpu.yield
    }) : () -> ()
    %add3A_18 = arith.constant 512 : i32
    %add3A_19 = arith.addi %mul3A_4, %add3A_18 : i32
    "tpu.region"() ({
      %run_scoped3A = tpu.sem_alloc : memref<!tpu.dma_semaphore, #tpu.memory_space<semaphore_mem>>
      %dma_start3A_40 = arith.constant 0 : i32
      %dma_start3A_41 = tpu.memref_slice %arg7[%add3A_19, %dma_start3A_40] : memref<10240x16xf32, #tpu.memory_space<vmem_shared>> -> memref<128x16xf32, #tpu.memory_space<vmem_shared>>
      %dma_start3A_42 = arith.constant 0 : i32
      %dma_start3A_43 = tpu.memref_slice %arg7[%add3A_19, %dma_start3A_42] : memref<10240x16xf32, #tpu.memory_space<vmem_shared>> -> memref<128x16xf32, #tpu.memory_space<vmem_shared>>
      tpu.enqueue_dma source(%arg4 : memref<128x16xf32, #tpu.memory_space<vmem>>) target(%dma_start3A_43 : memref<128x16xf32, #tpu.memory_space<vmem_shared>>) target_semaphore(%run_scoped3A : memref<!tpu.dma_semaphore, #tpu.memory_space<semaphore_mem>>)
      %dma_wait3A = arith.constant 0 : i32
      %dma_wait3A_44 = tpu.memref_slice %arg7[%add3A_19, %dma_wait3A] : memref<10240x16xf32, #tpu.memory_space<vmem_shared>> -> memref<128x16xf32, #tpu.memory_space<vmem_shared>>
      %dma_wait3A_45 = arith.constant 0 : i32
      %dma_wait3A_46 = tpu.memref_slice %arg7[%add3A_19, %dma_wait3A_45] : memref<10240x16xf32, #tpu.memory_space<vmem_shared>> -> memref<128x16xf32, #tpu.memory_space<vmem_shared>>
      tpu.wait_dma2 semaphore(%run_scoped3A : memref<!tpu.dma_semaphore, #tpu.memory_space<semaphore_mem>>) src(%arg4 : memref<128x16xf32, #tpu.memory_space<vmem>>) dst(%dma_wait3A_46 : memref<128x16xf32, #tpu.memory_space<vmem_shared>>)
      tpu.yield
    }) : () -> ()
    %barrier3A = arith.constant 0 : index
    tpu.barrier barrier_id(%barrier3A)
    %scan3A_20 = arith.constant 0 : i32
    %scan3A_21 = arith.constant 0 : i32
    %scan3A_22 = arith.constant 128 : i32
    %scan3A_23 = arith.addi %scan3A_21, %scan3A_22 : i32
    %scan3A_24 = arith.constant 1 : i32
    scf.for %scan3A_40 = %scan3A_21 to %scan3A_23 step %scan3A_24  : i32 {
      %broadcast_in_dim3A = arith.constant 1.000000e+00 : f32
      %broadcast_in_dim3A_41 = vector.broadcast %broadcast_in_dim3A : f32 to vector<16xf32>
      %swap3A = arith.index_cast %scan3A_40 : i32 to index
      %swap3A_42 = arith.constant 0 : index
      %swap3A_43 = tpu.vector_load %arg4[%swap3A, %swap3A_42] {strides = array<i32>} : memref<128x16xf32, #tpu.memory_space<vmem>>, vector<1x16xf32>,
      %swap3A_44 = vector.shape_cast %swap3A_43 : vector<1x16xf32> to vector<16xf32>
      %swap3A_45 = vector.shape_cast %broadcast_in_dim3A_41 : vector<16xf32> to vector<1x16xf32>
      tpu.vector_store %arg4[%swap3A, %swap3A_42], %swap3A_45 {strides = array<i32>} : memref<128x16xf32, #tpu.memory_space<vmem>>, vector<1x16xf32>,
    }
    %scan3A_25 = arith.constant 128 : i32
    %add3A_26 = arith.constant 0 : i32
    %add3A_27 = arith.addi %mul3A_2, %add3A_26 : i32
    %dma_start3A = tpu.memref_slice %arg2[%add3A_27] : memref<327680xi32, #tpu.memory_space<hbm>> -> memref<128xi32, #tpu.memory_space<hbm>>
    %dma_start3A_28 = tpu.memref_slice %arg2[%add3A_27] : memref<327680xi32, #tpu.memory_space<hbm>> -> memref<128xi32, #tpu.memory_space<hbm>>
    tpu.enqueue_dma source(%dma_start3A_28 : memref<128xi32, #tpu.memory_space<hbm>>) target(%arg5 : memref<128xi32, #tpu.memory_space<vmem>>) target_semaphore(%arg10 : memref<!tpu.dma_semaphore, #tpu.memory_space<semaphore_mem>>)
    %add3A_29 = arith.constant 128 : i32
    %add3A_30 = arith.addi %mul3A_2, %add3A_29 : i32
    %dma_start3A_31 = tpu.memref_slice %arg2[%add3A_30] : memref<327680xi32, #tpu.memory_space<hbm>> -> memref<128xi32, #tpu.memory_space<hbm>>
    %dma_start3A_32 = tpu.memref_slice %arg2[%add3A_30] : memref<327680xi32, #tpu.memory_space<hbm>> -> memref<128xi32, #tpu.memory_space<hbm>>
    tpu.enqueue_dma source(%dma_start3A_32 : memref<128xi32, #tpu.memory_space<hbm>>) target(%arg6 : memref<128xi32, #tpu.memory_space<vmem>>) target_semaphore(%arg11 : memref<!tpu.dma_semaphore, #tpu.memory_space<semaphore_mem>>)
    %scan3A_33 = arith.constant 0 : i32
    %scan3A_34 = arith.constant 0 : i32
    %scan3A_35 = arith.constant 40 : i32
    %scan3A_36 = arith.addi %scan3A_34, %scan3A_35 : i32
    %scan3A_37 = arith.constant 1 : i32
    scf.for %scan3A_40 = %scan3A_34 to %scan3A_36 step %scan3A_37  : i32 {
      %mul3A_41 = arith.constant 2 : i32
      %mul3A_42 = arith.muli %scan3A_40, %mul3A_41 : i32
      %add3A_43 = arith.constant 1 : i32
      %add3A_44 = arith.addi %mul3A_42, %add3A_43 : i32
      %dma_wait3A = tpu.memref_slice %arg2[%mul3A_2] : memref<327680xi32, #tpu.memory_space<hbm>> -> memref<128xi32, #tpu.memory_space<hbm>>
      %dma_wait3A_45 = tpu.memref_slice %arg2[%mul3A_2] : memref<327680xi32, #tpu.memory_space<hbm>> -> memref<128xi32, #tpu.memory_space<hbm>>
      tpu.wait_dma2 semaphore(%arg10 : memref<!tpu.dma_semaphore, #tpu.memory_space<semaphore_mem>>) src(%dma_wait3A_45 : memref<128xi32, #tpu.memory_space<hbm>>) dst(%arg5 : memref<128xi32, #tpu.memory_space<vmem>>)
      %dma_start3A_46 = arith.constant 0 : i32
      %dma_start3A_47 = arith.constant 0 : i32
      %dma_start3A_48 = tpu.memref_slice %arg7[%dma_start3A_46, %dma_start3A_47] : memref<10240x16xf32, #tpu.memory_space<vmem_shared>> -> memref<10240x16xf32, #tpu.memory_space<vmem_shared>>
      tpu.enqueue_indirect_dma source(%arg4 : memref<128x16xf32, #tpu.memory_space<vmem>>) target(%dma_start3A_48 : memref<10240x16xf32, #tpu.memory_space<vmem_shared>>) offsets(%arg5 : memref<128xi32, #tpu.memory_space<vmem>>) semaphore(%arg8 : memref<!tpu.dma_semaphore, #tpu.memory_space<semaphore_mem>>) {add = true}
      %dma_wait3A_49 = tpu.memref_slice %arg2[%mul3A_2] : memref<327680xi32, #tpu.memory_space<hbm>> -> memref<128xi32, #tpu.memory_space<hbm>>
      %dma_wait3A_50 = tpu.memref_slice %arg2[%mul3A_2] : memref<327680xi32, #tpu.memory_space<hbm>> -> memref<128xi32, #tpu.memory_space<hbm>>
      tpu.wait_dma2 semaphore(%arg11 : memref<!tpu.dma_semaphore, #tpu.memory_space<semaphore_mem>>) src(%dma_wait3A_50 : memref<128xi32, #tpu.memory_space<hbm>>) dst(%arg6 : memref<128xi32, #tpu.memory_space<vmem>>)
      %dma_start3A_51 = arith.constant 0 : i32
      %dma_start3A_52 = arith.constant 0 : i32
      %dma_start3A_53 = tpu.memref_slice %arg7[%dma_start3A_51, %dma_start3A_52] : memref<10240x16xf32, #tpu.memory_space<vmem_shared>> -> memref<10240x16xf32, #tpu.memory_space<vmem_shared>>
      tpu.enqueue_indirect_dma source(%arg4 : memref<128x16xf32, #tpu.memory_space<vmem>>) target(%dma_start3A_53 : memref<10240x16xf32, #tpu.memory_space<vmem_shared>>) offsets(%arg6 : memref<128xi32, #tpu.memory_space<vmem>>) semaphore(%arg9 : memref<!tpu.dma_semaphore, #tpu.memory_space<semaphore_mem>>) {add = true}
      %dma_wait3A_54 = arith.constant 0 : i32
      %dma_wait3A_55 = arith.constant 0 : i32
      %dma_wait3A_56 = tpu.memref_slice %arg7[%dma_wait3A_54, %dma_wait3A_55] : memref<10240x16xf32, #tpu.memory_space<vmem_shared>> -> memref<10240x16xf32, #tpu.memory_space<vmem_shared>>
      tpu.wait_indirect_dma semaphore(%arg8 : memref<!tpu.dma_semaphore, #tpu.memory_space<semaphore_mem>>) src(%arg4 : memref<128x16xf32, #tpu.memory_space<vmem>>) dst(%dma_wait3A_56 : memref<10240x16xf32, #tpu.memory_space<vmem_shared>>)
      %add3A_57 = arith.constant 2 : i32
      %add3A_58 = arith.addi %mul3A_42, %add3A_57 : i32
      %lt3A = arith.constant 80 : i32
      %lt3A_59 = arith.cmpi slt, %add3A_58, %lt3A : i32
      %convert_element_type3A = arith.extui %lt3A_59 : i1 to i32
      %cond3A = arith.constant 0 : i32
      %cond3A_60 = arith.cmpi ne, %convert_element_type3A, %cond3A : i32
      scf.if %cond3A_60 {
        %add3A_71 = arith.constant 2 : i32
        %add3A_72 = arith.addi %mul3A_42, %add3A_71 : i32
        %mul3A_73 = arith.constant 128 : i32
        %mul3A_74 = arith.muli %add3A_72, %mul3A_73 : i32
        %add3A_75 = arith.addi %mul3A_2, %mul3A_74 : i32
        %dma_start3A_76 = tpu.memref_slice %arg2[%add3A_75] : memref<327680xi32, #tpu.memory_space<hbm>> -> memref<128xi32, #tpu.memory_space<hbm>>
        %dma_start3A_77 = tpu.memref_slice %arg2[%add3A_75] : memref<327680xi32, #tpu.memory_space<hbm>> -> memref<128xi32, #tpu.memory_space<hbm>>
        tpu.enqueue_dma source(%dma_start3A_77 : memref<128xi32, #tpu.memory_space<hbm>>) target(%arg5 : memref<128xi32, #tpu.memory_space<vmem>>) target_semaphore(%arg10 : memref<!tpu.dma_semaphore, #tpu.memory_space<semaphore_mem>>)
      } else {
      }
      %dma_wait3A_61 = arith.constant 0 : i32
      %dma_wait3A_62 = arith.constant 0 : i32
      %dma_wait3A_63 = tpu.memref_slice %arg7[%dma_wait3A_61, %dma_wait3A_62] : memref<10240x16xf32, #tpu.memory_space<vmem_shared>> -> memref<10240x16xf32, #tpu.memory_space<vmem_shared>>
      tpu.wait_indirect_dma semaphore(%arg9 : memref<!tpu.dma_semaphore, #tpu.memory_space<semaphore_mem>>) src(%arg4 : memref<128x16xf32, #tpu.memory_space<vmem>>) dst(%dma_wait3A_63 : memref<10240x16xf32, #tpu.memory_space<vmem_shared>>)
      %add3A_64 = arith.constant 2 : i32
      %add3A_65 = arith.addi %add3A_44, %add3A_64 : i32
      %lt3A_66 = arith.constant 80 : i32
      %lt3A_67 = arith.cmpi slt, %add3A_65, %lt3A_66 : i32
      %convert_element_type3A_68 = arith.extui %lt3A_67 : i1 to i32
      %cond3A_69 = arith.constant 0 : i32
      %cond3A_70 = arith.cmpi ne, %convert_element_type3A_68, %cond3A_69 : i32
      scf.if %cond3A_70 {
        %add3A_71 = arith.constant 2 : i32
        %add3A_72 = arith.addi %add3A_44, %add3A_71 : i32
        %mul3A_73 = arith.constant 128 : i32
        %mul3A_74 = arith.muli %add3A_72, %mul3A_73 : i32
        %add3A_75 = arith.addi %mul3A_2, %mul3A_74 : i32
        %dma_start3A_76 = tpu.memref_slice %arg2[%add3A_75] : memref<327680xi32, #tpu.memory_space<hbm>> -> memref<128xi32, #tpu.memory_space<hbm>>
        %dma_start3A_77 = tpu.memref_slice %arg2[%add3A_75] : memref<327680xi32, #tpu.memory_space<hbm>> -> memref<128xi32, #tpu.memory_space<hbm>>
        tpu.enqueue_dma source(%dma_start3A_77 : memref<128xi32, #tpu.memory_space<hbm>>) target(%arg6 : memref<128xi32, #tpu.memory_space<vmem>>) target_semaphore(%arg11 : memref<!tpu.dma_semaphore, #tpu.memory_space<semaphore_mem>>)
      } else {
      }
    }
    %scan3A_38 = arith.constant 40 : i32
    %barrier3A_39 = arith.constant 0 : index
    tpu.barrier barrier_id(%barrier3A_39)
    "tpu.region"() ({
      %run_scoped3A = tpu.sem_alloc : memref<!tpu.dma_semaphore, #tpu.memory_space<semaphore_mem>>
      %dma_start3A_40 = arith.constant 0 : i32
      %dma_start3A_41 = tpu.memref_slice %arg3[%arg0, %mul3A_4, %dma_start3A_40] : memref<2x10240x16xf32, #tpu.memory_space<hbm>> -> memref<1x640x16xf32, #tpu.memory_space<hbm>>
      %dma_start3A_42 = tpu.memref_squeeze %dma_start3A_41 : memref<1x640x16xf32, #tpu.memory_space<hbm>> -> memref<640x16xf32, #tpu.memory_space<hbm>>
      %dma_start3A_43 = arith.constant 0 : i32
      %dma_start3A_44 = tpu.memref_slice %arg7[%mul3A_4, %dma_start3A_43] : memref<10240x16xf32, #tpu.memory_space<vmem_shared>> -> memref<640x16xf32, #tpu.memory_space<vmem_shared>>
      tpu.enqueue_dma source(%dma_start3A_44 : memref<640x16xf32, #tpu.memory_space<vmem_shared>>) target(%dma_start3A_42 : memref<640x16xf32, #tpu.memory_space<hbm>>) target_semaphore(%run_scoped3A : memref<!tpu.dma_semaphore, #tpu.memory_space<semaphore_mem>>)
      %dma_wait3A = arith.constant 0 : i32
      %dma_wait3A_45 = tpu.memref_slice %arg3[%arg0, %mul3A_4, %dma_wait3A] : memref<2x10240x16xf32, #tpu.memory_space<hbm>> -> memref<1x640x16xf32, #tpu.memory_space<hbm>>
      %dma_wait3A_46 = tpu.memref_squeeze %dma_wait3A_45 : memref<1x640x16xf32, #tpu.memory_space<hbm>> -> memref<640x16xf32, #tpu.memory_space<hbm>>
      %dma_wait3A_47 = arith.constant 0 : i32
      %dma_wait3A_48 = tpu.memref_slice %arg7[%mul3A_4, %dma_wait3A_47] : memref<10240x16xf32, #tpu.memory_space<vmem_shared>> -> memref<640x16xf32, #tpu.memory_space<vmem_shared>>
      tpu.wait_dma2 semaphore(%run_scoped3A : memref<!tpu.dma_semaphore, #tpu.memory_space<semaphore_mem>>) src(%dma_wait3A_48 : memref<640x16xf32, #tpu.memory_space<vmem_shared>>) dst(%dma_wait3A_46 : memref<640x16xf32, #tpu.memory_space<hbm>>)
      tpu.yield
    }) : () -> ()
    return
  }
}

#map = affine_map<(d0, d1) -> (0, 0)>
#map1 = affine_map<(d0, d1) -> (0)>
#map2 = affine_map<(d0, d1) -> (0, 0, 0)>
module attributes {stable_mosaic.version = 14 : i64} {
  func.func @agg(%arg0: i32, %arg1: i32, %arg2: memref<10000x16xf32, #tpu.memory_space<hbm>>, %arg3: memref<327680xi32, #tpu.memory_space<hbm>>, %arg4: memref<327680xi32, #tpu.memory_space<hbm>>, %arg5: memref<2x10240x16xf32, #tpu.memory_space<hbm>>, %arg6: memref<128x16xf32, #tpu.memory_space<vmem>>, %arg7: memref<128x16xf32, #tpu.memory_space<vmem>>, %arg8: memref<10240xi32, #tpu.memory_space<vmem>>, %arg9: memref<128xi32, #tpu.memory_space<vmem>>, %arg10: memref<128xi32, #tpu.memory_space<vmem>>, %arg11: memref<10240x16xf32, #tpu.memory_space<vmem_shared>>, %arg12: memref<!tpu.dma_semaphore, #tpu.memory_space<semaphore_mem>>, %arg13: memref<!tpu.dma_semaphore, #tpu.memory_space<semaphore_mem>>, %arg14: memref<!tpu.dma_semaphore, #tpu.memory_space<semaphore_mem>>, %arg15: memref<!tpu.dma_semaphore, #tpu.memory_space<semaphore_mem>>) attributes {dimension_semantics = [#tpu.dimension_semantics<core_parallel>, #tpu.dimension_semantics<subcore_parallel>], iteration_bounds = array<i64: 2, 16>, scalar_prefetch = 0 : i64, scratch_operands = 10 : i64, tpu.core_type = #tpu.core_type<sc_vector_subcore>, window_params = [{transform_indices = #map}, {transform_indices = #map1}, {transform_indices = #map1}, {transform_indices = #map2}]} {
    %mul3A = arith.constant 2 : i32
    %mul3A_0 = arith.muli %arg1, %mul3A : i32
    %add3A = arith.addi %mul3A_0, %arg0 : i32
    %mul3A_1 = arith.constant 10240 : i32
    %mul3A_2 = arith.muli %add3A, %mul3A_1 : i32
    %mul3A_3 = arith.constant 640 : i32
    %mul3A_4 = arith.muli %arg1, %mul3A_3 : i32
    %scan3A = arith.constant 0 : i32
    %scan3A_5 = arith.constant 0 : i32
    %scan3A_6 = arith.constant 128 : i32
    %scan3A_7 = arith.addi %scan3A_5, %scan3A_6 : i32
    %scan3A_8 = arith.constant 1 : i32
    scf.for %scan3A_39 = %scan3A_5 to %scan3A_7 step %scan3A_8  : i32 {
      %broadcast_in_dim3A = arith.constant 0.000000e+00 : f32
      %broadcast_in_dim3A_40 = vector.broadcast %broadcast_in_dim3A : f32 to vector<16xf32>
      %swap3A = arith.index_cast %scan3A_39 : i32 to index
      %swap3A_41 = arith.constant 0 : index
      %swap3A_42 = tpu.vector_load %arg6[%swap3A, %swap3A_41] {strides = array<i32>} : memref<128x16xf32, #tpu.memory_space<vmem>>, vector<1x16xf32>,
      %swap3A_43 = vector.shape_cast %swap3A_42 : vector<1x16xf32> to vector<16xf32>
      %swap3A_44 = vector.shape_cast %broadcast_in_dim3A_40 : vector<16xf32> to vector<1x16xf32>
      tpu.vector_store %arg6[%swap3A, %swap3A_41], %swap3A_44 {strides = array<i32>} : memref<128x16xf32, #tpu.memory_space<vmem>>, vector<1x16xf32>,
    }
    %scan3A_9 = arith.constant 128 : i32
    %add3A_10 = arith.constant 0 : i32
    %add3A_11 = arith.addi %mul3A_4, %add3A_10 : i32
    "tpu.region"() ({
      %run_scoped3A = tpu.sem_alloc : memref<!tpu.dma_semaphore, #tpu.memory_space<semaphore_mem>>
      %dma_start3A_39 = arith.constant 0 : i32
      %dma_start3A_40 = tpu.memref_slice %arg11[%add3A_11, %dma_start3A_39] : memref<10240x16xf32, #tpu.memory_space<vmem_shared>> -> memref<128x16xf32, #tpu.memory_space<vmem_shared>>
      %dma_start3A_41 = arith.constant 0 : i32
      %dma_start3A_42 = tpu.memref_slice %arg11[%add3A_11, %dma_start3A_41] : memref<10240x16xf32, #tpu.memory_space<vmem_shared>> -> memref<128x16xf32, #tpu.memory_space<vmem_shared>>
      tpu.enqueue_dma source(%arg6 : memref<128x16xf32, #tpu.memory_space<vmem>>) target(%dma_start3A_42 : memref<128x16xf32, #tpu.memory_space<vmem_shared>>) target_semaphore(%run_scoped3A : memref<!tpu.dma_semaphore, #tpu.memory_space<semaphore_mem>>)
      %dma_wait3A = arith.constant 0 : i32
      %dma_wait3A_43 = tpu.memref_slice %arg11[%add3A_11, %dma_wait3A] : memref<10240x16xf32, #tpu.memory_space<vmem_shared>> -> memref<128x16xf32, #tpu.memory_space<vmem_shared>>
      %dma_wait3A_44 = arith.constant 0 : i32
      %dma_wait3A_45 = tpu.memref_slice %arg11[%add3A_11, %dma_wait3A_44] : memref<10240x16xf32, #tpu.memory_space<vmem_shared>> -> memref<128x16xf32, #tpu.memory_space<vmem_shared>>
      tpu.wait_dma2 semaphore(%run_scoped3A : memref<!tpu.dma_semaphore, #tpu.memory_space<semaphore_mem>>) src(%arg6 : memref<128x16xf32, #tpu.memory_space<vmem>>) dst(%dma_wait3A_45 : memref<128x16xf32, #tpu.memory_space<vmem_shared>>)
      tpu.yield
    }) : () -> ()
    %add3A_12 = arith.constant 128 : i32
    %add3A_13 = arith.addi %mul3A_4, %add3A_12 : i32
    "tpu.region"() ({
      %run_scoped3A = tpu.sem_alloc : memref<!tpu.dma_semaphore, #tpu.memory_space<semaphore_mem>>
      %dma_start3A_39 = arith.constant 0 : i32
      %dma_start3A_40 = tpu.memref_slice %arg11[%add3A_13, %dma_start3A_39] : memref<10240x16xf32, #tpu.memory_space<vmem_shared>> -> memref<128x16xf32, #tpu.memory_space<vmem_shared>>
      %dma_start3A_41 = arith.constant 0 : i32
      %dma_start3A_42 = tpu.memref_slice %arg11[%add3A_13, %dma_start3A_41] : memref<10240x16xf32, #tpu.memory_space<vmem_shared>> -> memref<128x16xf32, #tpu.memory_space<vmem_shared>>
      tpu.enqueue_dma source(%arg6 : memref<128x16xf32, #tpu.memory_space<vmem>>) target(%dma_start3A_42 : memref<128x16xf32, #tpu.memory_space<vmem_shared>>) target_semaphore(%run_scoped3A : memref<!tpu.dma_semaphore, #tpu.memory_space<semaphore_mem>>)
      %dma_wait3A = arith.constant 0 : i32
      %dma_wait3A_43 = tpu.memref_slice %arg11[%add3A_13, %dma_wait3A] : memref<10240x16xf32, #tpu.memory_space<vmem_shared>> -> memref<128x16xf32, #tpu.memory_space<vmem_shared>>
      %dma_wait3A_44 = arith.constant 0 : i32
      %dma_wait3A_45 = tpu.memref_slice %arg11[%add3A_13, %dma_wait3A_44] : memref<10240x16xf32, #tpu.memory_space<vmem_shared>> -> memref<128x16xf32, #tpu.memory_space<vmem_shared>>
      tpu.wait_dma2 semaphore(%run_scoped3A : memref<!tpu.dma_semaphore, #tpu.memory_space<semaphore_mem>>) src(%arg6 : memref<128x16xf32, #tpu.memory_space<vmem>>) dst(%dma_wait3A_45 : memref<128x16xf32, #tpu.memory_space<vmem_shared>>)
      tpu.yield
    }) : () -> ()
    %add3A_14 = arith.constant 256 : i32
    %add3A_15 = arith.addi %mul3A_4, %add3A_14 : i32
    "tpu.region"() ({
      %run_scoped3A = tpu.sem_alloc : memref<!tpu.dma_semaphore, #tpu.memory_space<semaphore_mem>>
      %dma_start3A_39 = arith.constant 0 : i32
      %dma_start3A_40 = tpu.memref_slice %arg11[%add3A_15, %dma_start3A_39] : memref<10240x16xf32, #tpu.memory_space<vmem_shared>> -> memref<128x16xf32, #tpu.memory_space<vmem_shared>>
      %dma_start3A_41 = arith.constant 0 : i32
      %dma_start3A_42 = tpu.memref_slice %arg11[%add3A_15, %dma_start3A_41] : memref<10240x16xf32, #tpu.memory_space<vmem_shared>> -> memref<128x16xf32, #tpu.memory_space<vmem_shared>>
      tpu.enqueue_dma source(%arg6 : memref<128x16xf32, #tpu.memory_space<vmem>>) target(%dma_start3A_42 : memref<128x16xf32, #tpu.memory_space<vmem_shared>>) target_semaphore(%run_scoped3A : memref<!tpu.dma_semaphore, #tpu.memory_space<semaphore_mem>>)
      %dma_wait3A = arith.constant 0 : i32
      %dma_wait3A_43 = tpu.memref_slice %arg11[%add3A_15, %dma_wait3A] : memref<10240x16xf32, #tpu.memory_space<vmem_shared>> -> memref<128x16xf32, #tpu.memory_space<vmem_shared>>
      %dma_wait3A_44 = arith.constant 0 : i32
      %dma_wait3A_45 = tpu.memref_slice %arg11[%add3A_15, %dma_wait3A_44] : memref<10240x16xf32, #tpu.memory_space<vmem_shared>> -> memref<128x16xf32, #tpu.memory_space<vmem_shared>>
      tpu.wait_dma2 semaphore(%run_scoped3A : memref<!tpu.dma_semaphore, #tpu.memory_space<semaphore_mem>>) src(%arg6 : memref<128x16xf32, #tpu.memory_space<vmem>>) dst(%dma_wait3A_45 : memref<128x16xf32, #tpu.memory_space<vmem_shared>>)
      tpu.yield
    }) : () -> ()
    %add3A_16 = arith.constant 384 : i32
    %add3A_17 = arith.addi %mul3A_4, %add3A_16 : i32
    "tpu.region"() ({
      %run_scoped3A = tpu.sem_alloc : memref<!tpu.dma_semaphore, #tpu.memory_space<semaphore_mem>>
      %dma_start3A_39 = arith.constant 0 : i32
      %dma_start3A_40 = tpu.memref_slice %arg11[%add3A_17, %dma_start3A_39] : memref<10240x16xf32, #tpu.memory_space<vmem_shared>> -> memref<128x16xf32, #tpu.memory_space<vmem_shared>>
      %dma_start3A_41 = arith.constant 0 : i32
      %dma_start3A_42 = tpu.memref_slice %arg11[%add3A_17, %dma_start3A_41] : memref<10240x16xf32, #tpu.memory_space<vmem_shared>> -> memref<128x16xf32, #tpu.memory_space<vmem_shared>>
      tpu.enqueue_dma source(%arg6 : memref<128x16xf32, #tpu.memory_space<vmem>>) target(%dma_start3A_42 : memref<128x16xf32, #tpu.memory_space<vmem_shared>>) target_semaphore(%run_scoped3A : memref<!tpu.dma_semaphore, #tpu.memory_space<semaphore_mem>>)
      %dma_wait3A = arith.constant 0 : i32
      %dma_wait3A_43 = tpu.memref_slice %arg11[%add3A_17, %dma_wait3A] : memref<10240x16xf32, #tpu.memory_space<vmem_shared>> -> memref<128x16xf32, #tpu.memory_space<vmem_shared>>
      %dma_wait3A_44 = arith.constant 0 : i32
      %dma_wait3A_45 = tpu.memref_slice %arg11[%add3A_17, %dma_wait3A_44] : memref<10240x16xf32, #tpu.memory_space<vmem_shared>> -> memref<128x16xf32, #tpu.memory_space<vmem_shared>>
      tpu.wait_dma2 semaphore(%run_scoped3A : memref<!tpu.dma_semaphore, #tpu.memory_space<semaphore_mem>>) src(%arg6 : memref<128x16xf32, #tpu.memory_space<vmem>>) dst(%dma_wait3A_45 : memref<128x16xf32, #tpu.memory_space<vmem_shared>>)
      tpu.yield
    }) : () -> ()
    %add3A_18 = arith.constant 512 : i32
    %add3A_19 = arith.addi %mul3A_4, %add3A_18 : i32
    "tpu.region"() ({
      %run_scoped3A = tpu.sem_alloc : memref<!tpu.dma_semaphore, #tpu.memory_space<semaphore_mem>>
      %dma_start3A_39 = arith.constant 0 : i32
      %dma_start3A_40 = tpu.memref_slice %arg11[%add3A_19, %dma_start3A_39] : memref<10240x16xf32, #tpu.memory_space<vmem_shared>> -> memref<128x16xf32, #tpu.memory_space<vmem_shared>>
      %dma_start3A_41 = arith.constant 0 : i32
      %dma_start3A_42 = tpu.memref_slice %arg11[%add3A_19, %dma_start3A_41] : memref<10240x16xf32, #tpu.memory_space<vmem_shared>> -> memref<128x16xf32, #tpu.memory_space<vmem_shared>>
      tpu.enqueue_dma source(%arg6 : memref<128x16xf32, #tpu.memory_space<vmem>>) target(%dma_start3A_42 : memref<128x16xf32, #tpu.memory_space<vmem_shared>>) target_semaphore(%run_scoped3A : memref<!tpu.dma_semaphore, #tpu.memory_space<semaphore_mem>>)
      %dma_wait3A = arith.constant 0 : i32
      %dma_wait3A_43 = tpu.memref_slice %arg11[%add3A_19, %dma_wait3A] : memref<10240x16xf32, #tpu.memory_space<vmem_shared>> -> memref<128x16xf32, #tpu.memory_space<vmem_shared>>
      %dma_wait3A_44 = arith.constant 0 : i32
      %dma_wait3A_45 = tpu.memref_slice %arg11[%add3A_19, %dma_wait3A_44] : memref<10240x16xf32, #tpu.memory_space<vmem_shared>> -> memref<128x16xf32, #tpu.memory_space<vmem_shared>>
      tpu.wait_dma2 semaphore(%run_scoped3A : memref<!tpu.dma_semaphore, #tpu.memory_space<semaphore_mem>>) src(%arg6 : memref<128x16xf32, #tpu.memory_space<vmem>>) dst(%dma_wait3A_45 : memref<128x16xf32, #tpu.memory_space<vmem_shared>>)
      tpu.yield
    }) : () -> ()
    %barrier3A = arith.constant 0 : index
    tpu.barrier barrier_id(%barrier3A)
    "tpu.region"() ({
      %run_scoped3A = tpu.sem_alloc : memref<!tpu.dma_semaphore, #tpu.memory_space<semaphore_mem>>
      %dma_start3A_39 = tpu.memref_slice %arg3[%mul3A_2] : memref<327680xi32, #tpu.memory_space<hbm>> -> memref<10240xi32, #tpu.memory_space<hbm>>
      %dma_start3A_40 = tpu.memref_slice %arg3[%mul3A_2] : memref<327680xi32, #tpu.memory_space<hbm>> -> memref<10240xi32, #tpu.memory_space<hbm>>
      tpu.enqueue_dma source(%dma_start3A_40 : memref<10240xi32, #tpu.memory_space<hbm>>) target(%arg8 : memref<10240xi32, #tpu.memory_space<vmem>>) target_semaphore(%run_scoped3A : memref<!tpu.dma_semaphore, #tpu.memory_space<semaphore_mem>>)
      %dma_wait3A = tpu.memref_slice %arg3[%mul3A_2] : memref<327680xi32, #tpu.memory_space<hbm>> -> memref<10240xi32, #tpu.memory_space<hbm>>
      %dma_wait3A_41 = tpu.memref_slice %arg3[%mul3A_2] : memref<327680xi32, #tpu.memory_space<hbm>> -> memref<10240xi32, #tpu.memory_space<hbm>>
      tpu.wait_dma2 semaphore(%run_scoped3A : memref<!tpu.dma_semaphore, #tpu.memory_space<semaphore_mem>>) src(%dma_wait3A_41 : memref<10240xi32, #tpu.memory_space<hbm>>) dst(%arg8 : memref<10240xi32, #tpu.memory_space<vmem>>)
      tpu.yield
    }) : () -> ()
    %add3A_20 = arith.constant 0 : i32
    %add3A_21 = arith.addi %mul3A_2, %add3A_20 : i32
    %dma_start3A = tpu.memref_slice %arg4[%add3A_21] : memref<327680xi32, #tpu.memory_space<hbm>> -> memref<128xi32, #tpu.memory_space<hbm>>
    %dma_start3A_22 = tpu.memref_slice %arg4[%add3A_21] : memref<327680xi32, #tpu.memory_space<hbm>> -> memref<128xi32, #tpu.memory_space<hbm>>
    tpu.enqueue_dma source(%dma_start3A_22 : memref<128xi32, #tpu.memory_space<hbm>>) target(%arg9 : memref<128xi32, #tpu.memory_space<vmem>>) target_semaphore(%arg14 : memref<!tpu.dma_semaphore, #tpu.memory_space<semaphore_mem>>)
    %add3A_23 = arith.constant 128 : i32
    %add3A_24 = arith.addi %mul3A_2, %add3A_23 : i32
    %dma_start3A_25 = tpu.memref_slice %arg4[%add3A_24] : memref<327680xi32, #tpu.memory_space<hbm>> -> memref<128xi32, #tpu.memory_space<hbm>>
    %dma_start3A_26 = tpu.memref_slice %arg4[%add3A_24] : memref<327680xi32, #tpu.memory_space<hbm>> -> memref<128xi32, #tpu.memory_space<hbm>>
    tpu.enqueue_dma source(%dma_start3A_26 : memref<128xi32, #tpu.memory_space<hbm>>) target(%arg10 : memref<128xi32, #tpu.memory_space<vmem>>) target_semaphore(%arg15 : memref<!tpu.dma_semaphore, #tpu.memory_space<semaphore_mem>>)
    %dma_start3A_27 = arith.constant 0 : i32
    %dma_start3A_28 = tpu.memref_slice %arg8[%dma_start3A_27] : memref<10240xi32, #tpu.memory_space<vmem>> -> memref<128xi32, #tpu.memory_space<vmem>>
    %dma_start3A_29 = arith.constant 0 : i32
    %dma_start3A_30 = arith.constant 0 : i32
    %dma_start3A_31 = tpu.memref_slice %arg2[%dma_start3A_29, %dma_start3A_30] : memref<10000x16xf32, #tpu.memory_space<hbm>> -> memref<10000x16xf32, #tpu.memory_space<hbm>>
    tpu.enqueue_indirect_dma source(%dma_start3A_31 : memref<10000x16xf32, #tpu.memory_space<hbm>>) target(%arg6 : memref<128x16xf32, #tpu.memory_space<vmem>>) offsets(%dma_start3A_28 : memref<128xi32, #tpu.memory_space<vmem>>) semaphore(%arg12 : memref<!tpu.dma_semaphore, #tpu.memory_space<semaphore_mem>>)
    %scan3A_32 = arith.constant 0 : i32
    %scan3A_33 = arith.constant 0 : i32
    %scan3A_34 = arith.constant 40 : i32
    %scan3A_35 = arith.addi %scan3A_33, %scan3A_34 : i32
    %scan3A_36 = arith.constant 1 : i32
    scf.for %scan3A_39 = %scan3A_33 to %scan3A_35 step %scan3A_36  : i32 {
      %mul3A_40 = arith.constant 2 : i32
      %mul3A_41 = arith.muli %scan3A_39, %mul3A_40 : i32
      %add3A_42 = arith.constant 1 : i32
      %add3A_43 = arith.addi %mul3A_41, %add3A_42 : i32
      %mul3A_44 = arith.constant 128 : i32
      %mul3A_45 = arith.muli %add3A_43, %mul3A_44 : i32
      %dma_start3A_46 = tpu.memref_slice %arg8[%mul3A_45] : memref<10240xi32, #tpu.memory_space<vmem>> -> memref<128xi32, #tpu.memory_space<vmem>>
      %dma_start3A_47 = arith.constant 0 : i32
      %dma_start3A_48 = arith.constant 0 : i32
      %dma_start3A_49 = tpu.memref_slice %arg2[%dma_start3A_47, %dma_start3A_48] : memref<10000x16xf32, #tpu.memory_space<hbm>> -> memref<10000x16xf32, #tpu.memory_space<hbm>>
      tpu.enqueue_indirect_dma source(%dma_start3A_49 : memref<10000x16xf32, #tpu.memory_space<hbm>>) target(%arg7 : memref<128x16xf32, #tpu.memory_space<vmem>>) offsets(%dma_start3A_46 : memref<128xi32, #tpu.memory_space<vmem>>) semaphore(%arg13 : memref<!tpu.dma_semaphore, #tpu.memory_space<semaphore_mem>>)
      %dma_wait3A = tpu.memref_slice %arg4[%mul3A_2] : memref<327680xi32, #tpu.memory_space<hbm>> -> memref<128xi32, #tpu.memory_space<hbm>>
      %dma_wait3A_50 = tpu.memref_slice %arg4[%mul3A_2] : memref<327680xi32, #tpu.memory_space<hbm>> -> memref<128xi32, #tpu.memory_space<hbm>>
      tpu.wait_dma2 semaphore(%arg14 : memref<!tpu.dma_semaphore, #tpu.memory_space<semaphore_mem>>) src(%dma_wait3A_50 : memref<128xi32, #tpu.memory_space<hbm>>) dst(%arg9 : memref<128xi32, #tpu.memory_space<vmem>>)
      %dma_wait3A_51 = arith.constant 0 : i32
      %dma_wait3A_52 = tpu.memref_slice %arg8[%dma_wait3A_51] : memref<10240xi32, #tpu.memory_space<vmem>> -> memref<128xi32, #tpu.memory_space<vmem>>
      %dma_wait3A_53 = arith.constant 0 : i32
      %dma_wait3A_54 = arith.constant 0 : i32
      %dma_wait3A_55 = tpu.memref_slice %arg2[%dma_wait3A_53, %dma_wait3A_54] : memref<10000x16xf32, #tpu.memory_space<hbm>> -> memref<10000x16xf32, #tpu.memory_space<hbm>>
      tpu.wait_indirect_dma semaphore(%arg12 : memref<!tpu.dma_semaphore, #tpu.memory_space<semaphore_mem>>) src(%dma_wait3A_55 : memref<10000x16xf32, #tpu.memory_space<hbm>>) dst(%arg6 : memref<128x16xf32, #tpu.memory_space<vmem>>)
      "tpu.region"() ({
        %run_scoped3A = tpu.sem_alloc : memref<!tpu.dma_semaphore, #tpu.memory_space<semaphore_mem>>
        %dma_start3A_74 = arith.constant 0 : i32
        %dma_start3A_75 = arith.constant 0 : i32
        %dma_start3A_76 = tpu.memref_slice %arg11[%dma_start3A_74, %dma_start3A_75] : memref<10240x16xf32, #tpu.memory_space<vmem_shared>> -> memref<10240x16xf32, #tpu.memory_space<vmem_shared>>
        tpu.enqueue_indirect_dma source(%arg6 : memref<128x16xf32, #tpu.memory_space<vmem>>) target(%dma_start3A_76 : memref<10240x16xf32, #tpu.memory_space<vmem_shared>>) offsets(%arg9 : memref<128xi32, #tpu.memory_space<vmem>>) semaphore(%run_scoped3A : memref<!tpu.dma_semaphore, #tpu.memory_space<semaphore_mem>>) {add = true}
        %dma_wait3A_77 = arith.constant 0 : i32
        %dma_wait3A_78 = arith.constant 0 : i32
        %dma_wait3A_79 = tpu.memref_slice %arg11[%dma_wait3A_77, %dma_wait3A_78] : memref<10240x16xf32, #tpu.memory_space<vmem_shared>> -> memref<10240x16xf32, #tpu.memory_space<vmem_shared>>
        tpu.wait_indirect_dma semaphore(%run_scoped3A : memref<!tpu.dma_semaphore, #tpu.memory_space<semaphore_mem>>) src(%arg6 : memref<128x16xf32, #tpu.memory_space<vmem>>) dst(%dma_wait3A_79 : memref<10240x16xf32, #tpu.memory_space<vmem_shared>>)
        tpu.yield
      }) : () -> ()
      %add3A_56 = arith.constant 2 : i32
      %add3A_57 = arith.addi %mul3A_41, %add3A_56 : i32
      %lt3A = arith.constant 80 : i32
      %lt3A_58 = arith.cmpi slt, %add3A_57, %lt3A : i32
      %convert_element_type3A = arith.extui %lt3A_58 : i1 to i32
      %cond3A = arith.constant 0 : i32
      %cond3A_59 = arith.cmpi ne, %convert_element_type3A, %cond3A : i32
      scf.if %cond3A_59 {
        %add3A_74 = arith.constant 2 : i32
        %add3A_75 = arith.addi %mul3A_41, %add3A_74 : i32
        %mul3A_76 = arith.constant 128 : i32
        %mul3A_77 = arith.muli %add3A_75, %mul3A_76 : i32
        %add3A_78 = arith.addi %mul3A_2, %mul3A_77 : i32
        %dma_start3A_79 = tpu.memref_slice %arg4[%add3A_78] : memref<327680xi32, #tpu.memory_space<hbm>> -> memref<128xi32, #tpu.memory_space<hbm>>
        %dma_start3A_80 = tpu.memref_slice %arg4[%add3A_78] : memref<327680xi32, #tpu.memory_space<hbm>> -> memref<128xi32, #tpu.memory_space<hbm>>
        tpu.enqueue_dma source(%dma_start3A_80 : memref<128xi32, #tpu.memory_space<hbm>>) target(%arg9 : memref<128xi32, #tpu.memory_space<vmem>>) target_semaphore(%arg14 : memref<!tpu.dma_semaphore, #tpu.memory_space<semaphore_mem>>)
        %add3A_81 = arith.constant 2 : i32
        %add3A_82 = arith.addi %mul3A_41, %add3A_81 : i32
        %mul3A_83 = arith.constant 128 : i32
        %mul3A_84 = arith.muli %add3A_82, %mul3A_83 : i32
        %dma_start3A_85 = tpu.memref_slice %arg8[%mul3A_84] : memref<10240xi32, #tpu.memory_space<vmem>> -> memref<128xi32, #tpu.memory_space<vmem>>
        %dma_start3A_86 = arith.constant 0 : i32
        %dma_start3A_87 = arith.constant 0 : i32
        %dma_start3A_88 = tpu.memref_slice %arg2[%dma_start3A_86, %dma_start3A_87] : memref<10000x16xf32, #tpu.memory_space<hbm>> -> memref<10000x16xf32, #tpu.memory_space<hbm>>
        tpu.enqueue_indirect_dma source(%dma_start3A_88 : memref<10000x16xf32, #tpu.memory_space<hbm>>) target(%arg6 : memref<128x16xf32, #tpu.memory_space<vmem>>) offsets(%dma_start3A_85 : memref<128xi32, #tpu.memory_space<vmem>>) semaphore(%arg12 : memref<!tpu.dma_semaphore, #tpu.memory_space<semaphore_mem>>)
      } else {
      }
      %dma_wait3A_60 = tpu.memref_slice %arg4[%mul3A_2] : memref<327680xi32, #tpu.memory_space<hbm>> -> memref<128xi32, #tpu.memory_space<hbm>>
      %dma_wait3A_61 = tpu.memref_slice %arg4[%mul3A_2] : memref<327680xi32, #tpu.memory_space<hbm>> -> memref<128xi32, #tpu.memory_space<hbm>>
      tpu.wait_dma2 semaphore(%arg15 : memref<!tpu.dma_semaphore, #tpu.memory_space<semaphore_mem>>) src(%dma_wait3A_61 : memref<128xi32, #tpu.memory_space<hbm>>) dst(%arg10 : memref<128xi32, #tpu.memory_space<vmem>>)
      %dma_wait3A_62 = arith.constant 0 : i32
      %dma_wait3A_63 = tpu.memref_slice %arg8[%dma_wait3A_62] : memref<10240xi32, #tpu.memory_space<vmem>> -> memref<128xi32, #tpu.memory_space<vmem>>
      %dma_wait3A_64 = arith.constant 0 : i32
      %dma_wait3A_65 = arith.constant 0 : i32
      %dma_wait3A_66 = tpu.memref_slice %arg2[%dma_wait3A_64, %dma_wait3A_65] : memref<10000x16xf32, #tpu.memory_space<hbm>> -> memref<10000x16xf32, #tpu.memory_space<hbm>>
      tpu.wait_indirect_dma semaphore(%arg13 : memref<!tpu.dma_semaphore, #tpu.memory_space<semaphore_mem>>) src(%dma_wait3A_66 : memref<10000x16xf32, #tpu.memory_space<hbm>>) dst(%arg7 : memref<128x16xf32, #tpu.memory_space<vmem>>)
      "tpu.region"() ({
        %run_scoped3A = tpu.sem_alloc : memref<!tpu.dma_semaphore, #tpu.memory_space<semaphore_mem>>
        %dma_start3A_74 = arith.constant 0 : i32
        %dma_start3A_75 = arith.constant 0 : i32
        %dma_start3A_76 = tpu.memref_slice %arg11[%dma_start3A_74, %dma_start3A_75] : memref<10240x16xf32, #tpu.memory_space<vmem_shared>> -> memref<10240x16xf32, #tpu.memory_space<vmem_shared>>
        tpu.enqueue_indirect_dma source(%arg7 : memref<128x16xf32, #tpu.memory_space<vmem>>) target(%dma_start3A_76 : memref<10240x16xf32, #tpu.memory_space<vmem_shared>>) offsets(%arg10 : memref<128xi32, #tpu.memory_space<vmem>>) semaphore(%run_scoped3A : memref<!tpu.dma_semaphore, #tpu.memory_space<semaphore_mem>>) {add = true}
        %dma_wait3A_77 = arith.constant 0 : i32
        %dma_wait3A_78 = arith.constant 0 : i32
        %dma_wait3A_79 = tpu.memref_slice %arg11[%dma_wait3A_77, %dma_wait3A_78] : memref<10240x16xf32, #tpu.memory_space<vmem_shared>> -> memref<10240x16xf32, #tpu.memory_space<vmem_shared>>
        tpu.wait_indirect_dma semaphore(%run_scoped3A : memref<!tpu.dma_semaphore, #tpu.memory_space<semaphore_mem>>) src(%arg7 : memref<128x16xf32, #tpu.memory_space<vmem>>) dst(%dma_wait3A_79 : memref<10240x16xf32, #tpu.memory_space<vmem_shared>>)
        tpu.yield
      }) : () -> ()
      %add3A_67 = arith.constant 2 : i32
      %add3A_68 = arith.addi %add3A_43, %add3A_67 : i32
      %lt3A_69 = arith.constant 80 : i32
      %lt3A_70 = arith.cmpi slt, %add3A_68, %lt3A_69 : i32
      %convert_element_type3A_71 = arith.extui %lt3A_70 : i1 to i32
      %cond3A_72 = arith.constant 0 : i32
      %cond3A_73 = arith.cmpi ne, %convert_element_type3A_71, %cond3A_72 : i32
      scf.if %cond3A_73 {
        %add3A_74 = arith.constant 2 : i32
        %add3A_75 = arith.addi %add3A_43, %add3A_74 : i32
        %mul3A_76 = arith.constant 128 : i32
        %mul3A_77 = arith.muli %add3A_75, %mul3A_76 : i32
        %add3A_78 = arith.addi %mul3A_2, %mul3A_77 : i32
        %dma_start3A_79 = tpu.memref_slice %arg4[%add3A_78] : memref<327680xi32, #tpu.memory_space<hbm>> -> memref<128xi32, #tpu.memory_space<hbm>>
        %dma_start3A_80 = tpu.memref_slice %arg4[%add3A_78] : memref<327680xi32, #tpu.memory_space<hbm>> -> memref<128xi32, #tpu.memory_space<hbm>>
        tpu.enqueue_dma source(%dma_start3A_80 : memref<128xi32, #tpu.memory_space<hbm>>) target(%arg10 : memref<128xi32, #tpu.memory_space<vmem>>) target_semaphore(%arg15 : memref<!tpu.dma_semaphore, #tpu.memory_space<semaphore_mem>>)
      } else {
      }
    }
    %scan3A_37 = arith.constant 40 : i32
    %barrier3A_38 = arith.constant 0 : index
    tpu.barrier barrier_id(%barrier3A_38)
    "tpu.region"() ({
      %run_scoped3A = tpu.sem_alloc : memref<!tpu.dma_semaphore, #tpu.memory_space<semaphore_mem>>
      %dma_start3A_39 = arith.constant 0 : i32
      %dma_start3A_40 = tpu.memref_slice %arg5[%arg0, %mul3A_4, %dma_start3A_39] : memref<2x10240x16xf32, #tpu.memory_space<hbm>> -> memref<1x640x16xf32, #tpu.memory_space<hbm>>
      %dma_start3A_41 = tpu.memref_squeeze %dma_start3A_40 : memref<1x640x16xf32, #tpu.memory_space<hbm>> -> memref<640x16xf32, #tpu.memory_space<hbm>>
      %dma_start3A_42 = arith.constant 0 : i32
      %dma_start3A_43 = tpu.memref_slice %arg11[%mul3A_4, %dma_start3A_42] : memref<10240x16xf32, #tpu.memory_space<vmem_shared>> -> memref<640x16xf32, #tpu.memory_space<vmem_shared>>
      tpu.enqueue_dma source(%dma_start3A_43 : memref<640x16xf32, #tpu.memory_space<vmem_shared>>) target(%dma_start3A_41 : memref<640x16xf32, #tpu.memory_space<hbm>>) target_semaphore(%run_scoped3A : memref<!tpu.dma_semaphore, #tpu.memory_space<semaphore_mem>>)
      %dma_wait3A = arith.constant 0 : i32
      %dma_wait3A_44 = tpu.memref_slice %arg5[%arg0, %mul3A_4, %dma_wait3A] : memref<2x10240x16xf32, #tpu.memory_space<hbm>> -> memref<1x640x16xf32, #tpu.memory_space<hbm>>
      %dma_wait3A_45 = tpu.memref_squeeze %dma_wait3A_44 : memref<1x640x16xf32, #tpu.memory_space<hbm>> -> memref<640x16xf32, #tpu.memory_space<hbm>>
      %dma_wait3A_46 = arith.constant 0 : i32
      %dma_wait3A_47 = tpu.memref_slice %arg11[%mul3A_4, %dma_wait3A_46] : memref<10240x16xf32, #tpu.memory_space<vmem_shared>> -> memref<640x16xf32, #tpu.memory_space<vmem_shared>>
      tpu.wait_dma2 semaphore(%run_scoped3A : memref<!tpu.dma_semaphore, #tpu.memory_space<semaphore_mem>>) src(%dma_wait3A_47 : memref<640x16xf32, #tpu.memory_space<vmem_shared>>) dst(%dma_wait3A_45 : memref<640x16xf32, #tpu.memory_space<hbm>>)
      tpu.yield
    }) : () -> ()
    return
  }
}

#map = affine_map<(d0, d1) -> (0, 0)>
#map1 = affine_map<(d0, d1) -> (0)>
#map2 = affine_map<(d0, d1) -> (0, 0, 0)>
module attributes {stable_mosaic.version = 14 : i64} {
  func.func @agg(%arg0: i32, %arg1: i32, %arg2: memref<10000x128xf32, #tpu.memory_space<hbm>>, %arg3: memref<327680xi32, #tpu.memory_space<hbm>>, %arg4: memref<327680xi32, #tpu.memory_space<hbm>>, %arg5: memref<2x10240x128xf32, #tpu.memory_space<hbm>>, %arg6: memref<128x128xf32, #tpu.memory_space<vmem>>, %arg7: memref<128x128xf32, #tpu.memory_space<vmem>>, %arg8: memref<10240xi32, #tpu.memory_space<vmem>>, %arg9: memref<128xi32, #tpu.memory_space<vmem>>, %arg10: memref<128xi32, #tpu.memory_space<vmem>>, %arg11: memref<10240x128xf32, #tpu.memory_space<vmem_shared>>, %arg12: memref<!tpu.dma_semaphore, #tpu.memory_space<semaphore_mem>>, %arg13: memref<!tpu.dma_semaphore, #tpu.memory_space<semaphore_mem>>, %arg14: memref<!tpu.dma_semaphore, #tpu.memory_space<semaphore_mem>>, %arg15: memref<!tpu.dma_semaphore, #tpu.memory_space<semaphore_mem>>) attributes {dimension_semantics = [#tpu.dimension_semantics<core_parallel>, #tpu.dimension_semantics<subcore_parallel>], iteration_bounds = array<i64: 2, 16>, scalar_prefetch = 0 : i64, scratch_operands = 10 : i64, tpu.core_type = #tpu.core_type<sc_vector_subcore>, window_params = [{transform_indices = #map}, {transform_indices = #map1}, {transform_indices = #map1}, {transform_indices = #map2}]} {
    %mul3A = arith.constant 2 : i32
    %mul3A_0 = arith.muli %arg1, %mul3A : i32
    %add3A = arith.addi %mul3A_0, %arg0 : i32
    %mul3A_1 = arith.constant 10240 : i32
    %mul3A_2 = arith.muli %add3A, %mul3A_1 : i32
    %mul3A_3 = arith.constant 640 : i32
    %mul3A_4 = arith.muli %arg1, %mul3A_3 : i32
    %scan3A = arith.constant 0 : i32
    %scan3A_5 = arith.constant 0 : i32
    %scan3A_6 = arith.constant 128 : i32
    %scan3A_7 = arith.addi %scan3A_5, %scan3A_6 : i32
    %scan3A_8 = arith.constant 1 : i32
    scf.for %scan3A_39 = %scan3A_5 to %scan3A_7 step %scan3A_8  : i32 {
      %broadcast_in_dim3A = arith.constant 0.000000e+00 : f32
      %broadcast_in_dim3A_40 = vector.broadcast %broadcast_in_dim3A : f32 to vector<16xf32>
      %swap3A = arith.index_cast %scan3A_39 : i32 to index
      %swap3A_41 = arith.constant 0 : index
      %swap3A_42 = tpu.vector_load %arg6[%swap3A, %swap3A_41] {strides = array<i32>} : memref<128x128xf32, #tpu.memory_space<vmem>>, vector<1x16xf32>,
      %swap3A_43 = vector.shape_cast %swap3A_42 : vector<1x16xf32> to vector<16xf32>
      %swap3A_44 = vector.shape_cast %broadcast_in_dim3A_40 : vector<16xf32> to vector<1x16xf32>
      tpu.vector_store %arg6[%swap3A, %swap3A_41], %swap3A_44 {strides = array<i32>} : memref<128x128xf32, #tpu.memory_space<vmem>>, vector<1x16xf32>,
      %broadcast_in_dim3A_45 = arith.constant 0.000000e+00 : f32
      %broadcast_in_dim3A_46 = vector.broadcast %broadcast_in_dim3A_45 : f32 to vector<16xf32>
      %swap3A_47 = arith.index_cast %scan3A_39 : i32 to index
      %swap3A_48 = arith.constant 16 : index
      %swap3A_49 = tpu.vector_load %arg6[%swap3A_47, %swap3A_48] {strides = array<i32>} : memref<128x128xf32, #tpu.memory_space<vmem>>, vector<1x16xf32>,
      %swap3A_50 = vector.shape_cast %swap3A_49 : vector<1x16xf32> to vector<16xf32>
      %swap3A_51 = vector.shape_cast %broadcast_in_dim3A_46 : vector<16xf32> to vector<1x16xf32>
      tpu.vector_store %arg6[%swap3A_47, %swap3A_48], %swap3A_51 {strides = array<i32>} : memref<128x128xf32, #tpu.memory_space<vmem>>, vector<1x16xf32>,
      %broadcast_in_dim3A_52 = arith.constant 0.000000e+00 : f32
      %broadcast_in_dim3A_53 = vector.broadcast %broadcast_in_dim3A_52 : f32 to vector<16xf32>
      %swap3A_54 = arith.index_cast %scan3A_39 : i32 to index
      %swap3A_55 = arith.constant 32 : index
      %swap3A_56 = tpu.vector_load %arg6[%swap3A_54, %swap3A_55] {strides = array<i32>} : memref<128x128xf32, #tpu.memory_space<vmem>>, vector<1x16xf32>,
      %swap3A_57 = vector.shape_cast %swap3A_56 : vector<1x16xf32> to vector<16xf32>
      %swap3A_58 = vector.shape_cast %broadcast_in_dim3A_53 : vector<16xf32> to vector<1x16xf32>
      tpu.vector_store %arg6[%swap3A_54, %swap3A_55], %swap3A_58 {strides = array<i32>} : memref<128x128xf32, #tpu.memory_space<vmem>>, vector<1x16xf32>,
      %broadcast_in_dim3A_59 = arith.constant 0.000000e+00 : f32
      %broadcast_in_dim3A_60 = vector.broadcast %broadcast_in_dim3A_59 : f32 to vector<16xf32>
      %swap3A_61 = arith.index_cast %scan3A_39 : i32 to index
      %swap3A_62 = arith.constant 48 : index
      %swap3A_63 = tpu.vector_load %arg6[%swap3A_61, %swap3A_62] {strides = array<i32>} : memref<128x128xf32, #tpu.memory_space<vmem>>, vector<1x16xf32>,
      %swap3A_64 = vector.shape_cast %swap3A_63 : vector<1x16xf32> to vector<16xf32>
      %swap3A_65 = vector.shape_cast %broadcast_in_dim3A_60 : vector<16xf32> to vector<1x16xf32>
      tpu.vector_store %arg6[%swap3A_61, %swap3A_62], %swap3A_65 {strides = array<i32>} : memref<128x128xf32, #tpu.memory_space<vmem>>, vector<1x16xf32>,
      %broadcast_in_dim3A_66 = arith.constant 0.000000e+00 : f32
      %broadcast_in_dim3A_67 = vector.broadcast %broadcast_in_dim3A_66 : f32 to vector<16xf32>
      %swap3A_68 = arith.index_cast %scan3A_39 : i32 to index
      %swap3A_69 = arith.constant 64 : index
      %swap3A_70 = tpu.vector_load %arg6[%swap3A_68, %swap3A_69] {strides = array<i32>} : memref<128x128xf32, #tpu.memory_space<vmem>>, vector<1x16xf32>,
      %swap3A_71 = vector.shape_cast %swap3A_70 : vector<1x16xf32> to vector<16xf32>
      %swap3A_72 = vector.shape_cast %broadcast_in_dim3A_67 : vector<16xf32> to vector<1x16xf32>
      tpu.vector_store %arg6[%swap3A_68, %swap3A_69], %swap3A_72 {strides = array<i32>} : memref<128x128xf32, #tpu.memory_space<vmem>>, vector<1x16xf32>,
      %broadcast_in_dim3A_73 = arith.constant 0.000000e+00 : f32
      %broadcast_in_dim3A_74 = vector.broadcast %broadcast_in_dim3A_73 : f32 to vector<16xf32>
      %swap3A_75 = arith.index_cast %scan3A_39 : i32 to index
      %swap3A_76 = arith.constant 80 : index
      %swap3A_77 = tpu.vector_load %arg6[%swap3A_75, %swap3A_76] {strides = array<i32>} : memref<128x128xf32, #tpu.memory_space<vmem>>, vector<1x16xf32>,
      %swap3A_78 = vector.shape_cast %swap3A_77 : vector<1x16xf32> to vector<16xf32>
      %swap3A_79 = vector.shape_cast %broadcast_in_dim3A_74 : vector<16xf32> to vector<1x16xf32>
      tpu.vector_store %arg6[%swap3A_75, %swap3A_76], %swap3A_79 {strides = array<i32>} : memref<128x128xf32, #tpu.memory_space<vmem>>, vector<1x16xf32>,
      %broadcast_in_dim3A_80 = arith.constant 0.000000e+00 : f32
      %broadcast_in_dim3A_81 = vector.broadcast %broadcast_in_dim3A_80 : f32 to vector<16xf32>
      %swap3A_82 = arith.index_cast %scan3A_39 : i32 to index
      %swap3A_83 = arith.constant 96 : index
      %swap3A_84 = tpu.vector_load %arg6[%swap3A_82, %swap3A_83] {strides = array<i32>} : memref<128x128xf32, #tpu.memory_space<vmem>>, vector<1x16xf32>,
      %swap3A_85 = vector.shape_cast %swap3A_84 : vector<1x16xf32> to vector<16xf32>
      %swap3A_86 = vector.shape_cast %broadcast_in_dim3A_81 : vector<16xf32> to vector<1x16xf32>
      tpu.vector_store %arg6[%swap3A_82, %swap3A_83], %swap3A_86 {strides = array<i32>} : memref<128x128xf32, #tpu.memory_space<vmem>>, vector<1x16xf32>,
      %broadcast_in_dim3A_87 = arith.constant 0.000000e+00 : f32
      %broadcast_in_dim3A_88 = vector.broadcast %broadcast_in_dim3A_87 : f32 to vector<16xf32>
      %swap3A_89 = arith.index_cast %scan3A_39 : i32 to index
      %swap3A_90 = arith.constant 112 : index
      %swap3A_91 = tpu.vector_load %arg6[%swap3A_89, %swap3A_90] {strides = array<i32>} : memref<128x128xf32, #tpu.memory_space<vmem>>, vector<1x16xf32>,
      %swap3A_92 = vector.shape_cast %swap3A_91 : vector<1x16xf32> to vector<16xf32>
      %swap3A_93 = vector.shape_cast %broadcast_in_dim3A_88 : vector<16xf32> to vector<1x16xf32>
      tpu.vector_store %arg6[%swap3A_89, %swap3A_90], %swap3A_93 {strides = array<i32>} : memref<128x128xf32, #tpu.memory_space<vmem>>, vector<1x16xf32>,
    }
    %scan3A_9 = arith.constant 128 : i32
    %add3A_10 = arith.constant 0 : i32
    %add3A_11 = arith.addi %mul3A_4, %add3A_10 : i32
    "tpu.region"() ({
      %run_scoped3A = tpu.sem_alloc : memref<!tpu.dma_semaphore, #tpu.memory_space<semaphore_mem>>
      %dma_start3A_39 = arith.constant 0 : i32
      %dma_start3A_40 = tpu.memref_slice %arg11[%add3A_11, %dma_start3A_39] : memref<10240x128xf32, #tpu.memory_space<vmem_shared>> -> memref<128x128xf32, #tpu.memory_space<vmem_shared>>
      %dma_start3A_41 = arith.constant 0 : i32
      %dma_start3A_42 = tpu.memref_slice %arg11[%add3A_11, %dma_start3A_41] : memref<10240x128xf32, #tpu.memory_space<vmem_shared>> -> memref<128x128xf32, #tpu.memory_space<vmem_shared>>
      tpu.enqueue_dma source(%arg6 : memref<128x128xf32, #tpu.memory_space<vmem>>) target(%dma_start3A_42 : memref<128x128xf32, #tpu.memory_space<vmem_shared>>) target_semaphore(%run_scoped3A : memref<!tpu.dma_semaphore, #tpu.memory_space<semaphore_mem>>)
      %dma_wait3A = arith.constant 0 : i32
      %dma_wait3A_43 = tpu.memref_slice %arg11[%add3A_11, %dma_wait3A] : memref<10240x128xf32, #tpu.memory_space<vmem_shared>> -> memref<128x128xf32, #tpu.memory_space<vmem_shared>>
      %dma_wait3A_44 = arith.constant 0 : i32
      %dma_wait3A_45 = tpu.memref_slice %arg11[%add3A_11, %dma_wait3A_44] : memref<10240x128xf32, #tpu.memory_space<vmem_shared>> -> memref<128x128xf32, #tpu.memory_space<vmem_shared>>
      tpu.wait_dma2 semaphore(%run_scoped3A : memref<!tpu.dma_semaphore, #tpu.memory_space<semaphore_mem>>) src(%arg6 : memref<128x128xf32, #tpu.memory_space<vmem>>) dst(%dma_wait3A_45 : memref<128x128xf32, #tpu.memory_space<vmem_shared>>)
      tpu.yield
    }) : () -> ()
    %add3A_12 = arith.constant 128 : i32
    %add3A_13 = arith.addi %mul3A_4, %add3A_12 : i32
    "tpu.region"() ({
      %run_scoped3A = tpu.sem_alloc : memref<!tpu.dma_semaphore, #tpu.memory_space<semaphore_mem>>
      %dma_start3A_39 = arith.constant 0 : i32
      %dma_start3A_40 = tpu.memref_slice %arg11[%add3A_13, %dma_start3A_39] : memref<10240x128xf32, #tpu.memory_space<vmem_shared>> -> memref<128x128xf32, #tpu.memory_space<vmem_shared>>
      %dma_start3A_41 = arith.constant 0 : i32
      %dma_start3A_42 = tpu.memref_slice %arg11[%add3A_13, %dma_start3A_41] : memref<10240x128xf32, #tpu.memory_space<vmem_shared>> -> memref<128x128xf32, #tpu.memory_space<vmem_shared>>
      tpu.enqueue_dma source(%arg6 : memref<128x128xf32, #tpu.memory_space<vmem>>) target(%dma_start3A_42 : memref<128x128xf32, #tpu.memory_space<vmem_shared>>) target_semaphore(%run_scoped3A : memref<!tpu.dma_semaphore, #tpu.memory_space<semaphore_mem>>)
      %dma_wait3A = arith.constant 0 : i32
      %dma_wait3A_43 = tpu.memref_slice %arg11[%add3A_13, %dma_wait3A] : memref<10240x128xf32, #tpu.memory_space<vmem_shared>> -> memref<128x128xf32, #tpu.memory_space<vmem_shared>>
      %dma_wait3A_44 = arith.constant 0 : i32
      %dma_wait3A_45 = tpu.memref_slice %arg11[%add3A_13, %dma_wait3A_44] : memref<10240x128xf32, #tpu.memory_space<vmem_shared>> -> memref<128x128xf32, #tpu.memory_space<vmem_shared>>
      tpu.wait_dma2 semaphore(%run_scoped3A : memref<!tpu.dma_semaphore, #tpu.memory_space<semaphore_mem>>) src(%arg6 : memref<128x128xf32, #tpu.memory_space<vmem>>) dst(%dma_wait3A_45 : memref<128x128xf32, #tpu.memory_space<vmem_shared>>)
      tpu.yield
    }) : () -> ()
    %add3A_14 = arith.constant 256 : i32
    %add3A_15 = arith.addi %mul3A_4, %add3A_14 : i32
    "tpu.region"() ({
      %run_scoped3A = tpu.sem_alloc : memref<!tpu.dma_semaphore, #tpu.memory_space<semaphore_mem>>
      %dma_start3A_39 = arith.constant 0 : i32
      %dma_start3A_40 = tpu.memref_slice %arg11[%add3A_15, %dma_start3A_39] : memref<10240x128xf32, #tpu.memory_space<vmem_shared>> -> memref<128x128xf32, #tpu.memory_space<vmem_shared>>
      %dma_start3A_41 = arith.constant 0 : i32
      %dma_start3A_42 = tpu.memref_slice %arg11[%add3A_15, %dma_start3A_41] : memref<10240x128xf32, #tpu.memory_space<vmem_shared>> -> memref<128x128xf32, #tpu.memory_space<vmem_shared>>
      tpu.enqueue_dma source(%arg6 : memref<128x128xf32, #tpu.memory_space<vmem>>) target(%dma_start3A_42 : memref<128x128xf32, #tpu.memory_space<vmem_shared>>) target_semaphore(%run_scoped3A : memref<!tpu.dma_semaphore, #tpu.memory_space<semaphore_mem>>)
      %dma_wait3A = arith.constant 0 : i32
      %dma_wait3A_43 = tpu.memref_slice %arg11[%add3A_15, %dma_wait3A] : memref<10240x128xf32, #tpu.memory_space<vmem_shared>> -> memref<128x128xf32, #tpu.memory_space<vmem_shared>>
      %dma_wait3A_44 = arith.constant 0 : i32
      %dma_wait3A_45 = tpu.memref_slice %arg11[%add3A_15, %dma_wait3A_44] : memref<10240x128xf32, #tpu.memory_space<vmem_shared>> -> memref<128x128xf32, #tpu.memory_space<vmem_shared>>
      tpu.wait_dma2 semaphore(%run_scoped3A : memref<!tpu.dma_semaphore, #tpu.memory_space<semaphore_mem>>) src(%arg6 : memref<128x128xf32, #tpu.memory_space<vmem>>) dst(%dma_wait3A_45 : memref<128x128xf32, #tpu.memory_space<vmem_shared>>)
      tpu.yield
    }) : () -> ()
    %add3A_16 = arith.constant 384 : i32
    %add3A_17 = arith.addi %mul3A_4, %add3A_16 : i32
    "tpu.region"() ({
      %run_scoped3A = tpu.sem_alloc : memref<!tpu.dma_semaphore, #tpu.memory_space<semaphore_mem>>
      %dma_start3A_39 = arith.constant 0 : i32
      %dma_start3A_40 = tpu.memref_slice %arg11[%add3A_17, %dma_start3A_39] : memref<10240x128xf32, #tpu.memory_space<vmem_shared>> -> memref<128x128xf32, #tpu.memory_space<vmem_shared>>
      %dma_start3A_41 = arith.constant 0 : i32
      %dma_start3A_42 = tpu.memref_slice %arg11[%add3A_17, %dma_start3A_41] : memref<10240x128xf32, #tpu.memory_space<vmem_shared>> -> memref<128x128xf32, #tpu.memory_space<vmem_shared>>
      tpu.enqueue_dma source(%arg6 : memref<128x128xf32, #tpu.memory_space<vmem>>) target(%dma_start3A_42 : memref<128x128xf32, #tpu.memory_space<vmem_shared>>) target_semaphore(%run_scoped3A : memref<!tpu.dma_semaphore, #tpu.memory_space<semaphore_mem>>)
      %dma_wait3A = arith.constant 0 : i32
      %dma_wait3A_43 = tpu.memref_slice %arg11[%add3A_17, %dma_wait3A] : memref<10240x128xf32, #tpu.memory_space<vmem_shared>> -> memref<128x128xf32, #tpu.memory_space<vmem_shared>>
      %dma_wait3A_44 = arith.constant 0 : i32
      %dma_wait3A_45 = tpu.memref_slice %arg11[%add3A_17, %dma_wait3A_44] : memref<10240x128xf32, #tpu.memory_space<vmem_shared>> -> memref<128x128xf32, #tpu.memory_space<vmem_shared>>
      tpu.wait_dma2 semaphore(%run_scoped3A : memref<!tpu.dma_semaphore, #tpu.memory_space<semaphore_mem>>) src(%arg6 : memref<128x128xf32, #tpu.memory_space<vmem>>) dst(%dma_wait3A_45 : memref<128x128xf32, #tpu.memory_space<vmem_shared>>)
      tpu.yield
    }) : () -> ()
    %add3A_18 = arith.constant 512 : i32
    %add3A_19 = arith.addi %mul3A_4, %add3A_18 : i32
    "tpu.region"() ({
      %run_scoped3A = tpu.sem_alloc : memref<!tpu.dma_semaphore, #tpu.memory_space<semaphore_mem>>
      %dma_start3A_39 = arith.constant 0 : i32
      %dma_start3A_40 = tpu.memref_slice %arg11[%add3A_19, %dma_start3A_39] : memref<10240x128xf32, #tpu.memory_space<vmem_shared>> -> memref<128x128xf32, #tpu.memory_space<vmem_shared>>
      %dma_start3A_41 = arith.constant 0 : i32
      %dma_start3A_42 = tpu.memref_slice %arg11[%add3A_19, %dma_start3A_41] : memref<10240x128xf32, #tpu.memory_space<vmem_shared>> -> memref<128x128xf32, #tpu.memory_space<vmem_shared>>
      tpu.enqueue_dma source(%arg6 : memref<128x128xf32, #tpu.memory_space<vmem>>) target(%dma_start3A_42 : memref<128x128xf32, #tpu.memory_space<vmem_shared>>) target_semaphore(%run_scoped3A : memref<!tpu.dma_semaphore, #tpu.memory_space<semaphore_mem>>)
      %dma_wait3A = arith.constant 0 : i32
      %dma_wait3A_43 = tpu.memref_slice %arg11[%add3A_19, %dma_wait3A] : memref<10240x128xf32, #tpu.memory_space<vmem_shared>> -> memref<128x128xf32, #tpu.memory_space<vmem_shared>>
      %dma_wait3A_44 = arith.constant 0 : i32
      %dma_wait3A_45 = tpu.memref_slice %arg11[%add3A_19, %dma_wait3A_44] : memref<10240x128xf32, #tpu.memory_space<vmem_shared>> -> memref<128x128xf32, #tpu.memory_space<vmem_shared>>
      tpu.wait_dma2 semaphore(%run_scoped3A : memref<!tpu.dma_semaphore, #tpu.memory_space<semaphore_mem>>) src(%arg6 : memref<128x128xf32, #tpu.memory_space<vmem>>) dst(%dma_wait3A_45 : memref<128x128xf32, #tpu.memory_space<vmem_shared>>)
      tpu.yield
    }) : () -> ()
    %barrier3A = arith.constant 0 : index
    tpu.barrier barrier_id(%barrier3A)
    "tpu.region"() ({
      %run_scoped3A = tpu.sem_alloc : memref<!tpu.dma_semaphore, #tpu.memory_space<semaphore_mem>>
      %dma_start3A_39 = tpu.memref_slice %arg3[%mul3A_2] : memref<327680xi32, #tpu.memory_space<hbm>> -> memref<10240xi32, #tpu.memory_space<hbm>>
      %dma_start3A_40 = tpu.memref_slice %arg3[%mul3A_2] : memref<327680xi32, #tpu.memory_space<hbm>> -> memref<10240xi32, #tpu.memory_space<hbm>>
      tpu.enqueue_dma source(%dma_start3A_40 : memref<10240xi32, #tpu.memory_space<hbm>>) target(%arg8 : memref<10240xi32, #tpu.memory_space<vmem>>) target_semaphore(%run_scoped3A : memref<!tpu.dma_semaphore, #tpu.memory_space<semaphore_mem>>)
      %dma_wait3A = tpu.memref_slice %arg3[%mul3A_2] : memref<327680xi32, #tpu.memory_space<hbm>> -> memref<10240xi32, #tpu.memory_space<hbm>>
      %dma_wait3A_41 = tpu.memref_slice %arg3[%mul3A_2] : memref<327680xi32, #tpu.memory_space<hbm>> -> memref<10240xi32, #tpu.memory_space<hbm>>
      tpu.wait_dma2 semaphore(%run_scoped3A : memref<!tpu.dma_semaphore, #tpu.memory_space<semaphore_mem>>) src(%dma_wait3A_41 : memref<10240xi32, #tpu.memory_space<hbm>>) dst(%arg8 : memref<10240xi32, #tpu.memory_space<vmem>>)
      tpu.yield
    }) : () -> ()
    %add3A_20 = arith.constant 0 : i32
    %add3A_21 = arith.addi %mul3A_2, %add3A_20 : i32
    %dma_start3A = tpu.memref_slice %arg4[%add3A_21] : memref<327680xi32, #tpu.memory_space<hbm>> -> memref<128xi32, #tpu.memory_space<hbm>>
    %dma_start3A_22 = tpu.memref_slice %arg4[%add3A_21] : memref<327680xi32, #tpu.memory_space<hbm>> -> memref<128xi32, #tpu.memory_space<hbm>>
    tpu.enqueue_dma source(%dma_start3A_22 : memref<128xi32, #tpu.memory_space<hbm>>) target(%arg9 : memref<128xi32, #tpu.memory_space<vmem>>) target_semaphore(%arg14 : memref<!tpu.dma_semaphore, #tpu.memory_space<semaphore_mem>>)
    %add3A_23 = arith.constant 128 : i32
    %add3A_24 = arith.addi %mul3A_2, %add3A_23 : i32
    %dma_start3A_25 = tpu.memref_slice %arg4[%add3A_24] : memref<327680xi32, #tpu.memory_space<hbm>> -> memref<128xi32, #tpu.memory_space<hbm>>
    %dma_start3A_26 = tpu.memref_slice %arg4[%add3A_24] : memref<327680xi32, #tpu.memory_space<hbm>> -> memref<128xi32, #tpu.memory_space<hbm>>
    tpu.enqueue_dma source(%dma_start3A_26 : memref<128xi32, #tpu.memory_space<hbm>>) target(%arg10 : memref<128xi32, #tpu.memory_space<vmem>>) target_semaphore(%arg15 : memref<!tpu.dma_semaphore, #tpu.memory_space<semaphore_mem>>)
    %dma_start3A_27 = arith.constant 0 : i32
    %dma_start3A_28 = tpu.memref_slice %arg8[%dma_start3A_27] : memref<10240xi32, #tpu.memory_space<vmem>> -> memref<128xi32, #tpu.memory_space<vmem>>
    %dma_start3A_29 = arith.constant 0 : i32
    %dma_start3A_30 = arith.constant 0 : i32
    %dma_start3A_31 = tpu.memref_slice %arg2[%dma_start3A_29, %dma_start3A_30] : memref<10000x128xf32, #tpu.memory_space<hbm>> -> memref<10000x128xf32, #tpu.memory_space<hbm>>
    tpu.enqueue_indirect_dma source(%dma_start3A_31 : memref<10000x128xf32, #tpu.memory_space<hbm>>) target(%arg6 : memref<128x128xf32, #tpu.memory_space<vmem>>) offsets(%dma_start3A_28 : memref<128xi32, #tpu.memory_space<vmem>>) semaphore(%arg12 : memref<!tpu.dma_semaphore, #tpu.memory_space<semaphore_mem>>)
    %scan3A_32 = arith.constant 0 : i32
    %scan3A_33 = arith.constant 0 : i32
    %scan3A_34 = arith.constant 40 : i32
    %scan3A_35 = arith.addi %scan3A_33, %scan3A_34 : i32
    %scan3A_36 = arith.constant 1 : i32
    scf.for %scan3A_39 = %scan3A_33 to %scan3A_35 step %scan3A_36  : i32 {
      %mul3A_40 = arith.constant 2 : i32
      %mul3A_41 = arith.muli %scan3A_39, %mul3A_40 : i32
      %add3A_42 = arith.constant 1 : i32
      %add3A_43 = arith.addi %mul3A_41, %add3A_42 : i32
      %mul3A_44 = arith.constant 128 : i32
      %mul3A_45 = arith.muli %add3A_43, %mul3A_44 : i32
      %dma_start3A_46 = tpu.memref_slice %arg8[%mul3A_45] : memref<10240xi32, #tpu.memory_space<vmem>> -> memref<128xi32, #tpu.memory_space<vmem>>
      %dma_start3A_47 = arith.constant 0 : i32
      %dma_start3A_48 = arith.constant 0 : i32
      %dma_start3A_49 = tpu.memref_slice %arg2[%dma_start3A_47, %dma_start3A_48] : memref<10000x128xf32, #tpu.memory_space<hbm>> -> memref<10000x128xf32, #tpu.memory_space<hbm>>
      tpu.enqueue_indirect_dma source(%dma_start3A_49 : memref<10000x128xf32, #tpu.memory_space<hbm>>) target(%arg7 : memref<128x128xf32, #tpu.memory_space<vmem>>) offsets(%dma_start3A_46 : memref<128xi32, #tpu.memory_space<vmem>>) semaphore(%arg13 : memref<!tpu.dma_semaphore, #tpu.memory_space<semaphore_mem>>)
      %dma_wait3A = tpu.memref_slice %arg4[%mul3A_2] : memref<327680xi32, #tpu.memory_space<hbm>> -> memref<128xi32, #tpu.memory_space<hbm>>
      %dma_wait3A_50 = tpu.memref_slice %arg4[%mul3A_2] : memref<327680xi32, #tpu.memory_space<hbm>> -> memref<128xi32, #tpu.memory_space<hbm>>
      tpu.wait_dma2 semaphore(%arg14 : memref<!tpu.dma_semaphore, #tpu.memory_space<semaphore_mem>>) src(%dma_wait3A_50 : memref<128xi32, #tpu.memory_space<hbm>>) dst(%arg9 : memref<128xi32, #tpu.memory_space<vmem>>)
      %dma_wait3A_51 = arith.constant 0 : i32
      %dma_wait3A_52 = tpu.memref_slice %arg8[%dma_wait3A_51] : memref<10240xi32, #tpu.memory_space<vmem>> -> memref<128xi32, #tpu.memory_space<vmem>>
      %dma_wait3A_53 = arith.constant 0 : i32
      %dma_wait3A_54 = arith.constant 0 : i32
      %dma_wait3A_55 = tpu.memref_slice %arg2[%dma_wait3A_53, %dma_wait3A_54] : memref<10000x128xf32, #tpu.memory_space<hbm>> -> memref<10000x128xf32, #tpu.memory_space<hbm>>
      tpu.wait_indirect_dma semaphore(%arg12 : memref<!tpu.dma_semaphore, #tpu.memory_space<semaphore_mem>>) src(%dma_wait3A_55 : memref<10000x128xf32, #tpu.memory_space<hbm>>) dst(%arg6 : memref<128x128xf32, #tpu.memory_space<vmem>>)
      "tpu.region"() ({
        %run_scoped3A = tpu.sem_alloc : memref<!tpu.dma_semaphore, #tpu.memory_space<semaphore_mem>>
        %dma_start3A_74 = arith.constant 0 : i32
        %dma_start3A_75 = arith.constant 0 : i32
        %dma_start3A_76 = tpu.memref_slice %arg11[%dma_start3A_74, %dma_start3A_75] : memref<10240x128xf32, #tpu.memory_space<vmem_shared>> -> memref<10240x128xf32, #tpu.memory_space<vmem_shared>>
        tpu.enqueue_indirect_dma source(%arg6 : memref<128x128xf32, #tpu.memory_space<vmem>>) target(%dma_start3A_76 : memref<10240x128xf32, #tpu.memory_space<vmem_shared>>) offsets(%arg9 : memref<128xi32, #tpu.memory_space<vmem>>) semaphore(%run_scoped3A : memref<!tpu.dma_semaphore, #tpu.memory_space<semaphore_mem>>) {add = true}
        %dma_wait3A_77 = arith.constant 0 : i32
        %dma_wait3A_78 = arith.constant 0 : i32
        %dma_wait3A_79 = tpu.memref_slice %arg11[%dma_wait3A_77, %dma_wait3A_78] : memref<10240x128xf32, #tpu.memory_space<vmem_shared>> -> memref<10240x128xf32, #tpu.memory_space<vmem_shared>>
        tpu.wait_indirect_dma semaphore(%run_scoped3A : memref<!tpu.dma_semaphore, #tpu.memory_space<semaphore_mem>>) src(%arg6 : memref<128x128xf32, #tpu.memory_space<vmem>>) dst(%dma_wait3A_79 : memref<10240x128xf32, #tpu.memory_space<vmem_shared>>)
        tpu.yield
      }) : () -> ()
      %add3A_56 = arith.constant 2 : i32
      %add3A_57 = arith.addi %mul3A_41, %add3A_56 : i32
      %lt3A = arith.constant 80 : i32
      %lt3A_58 = arith.cmpi slt, %add3A_57, %lt3A : i32
      %convert_element_type3A = arith.extui %lt3A_58 : i1 to i32
      %cond3A = arith.constant 0 : i32
      %cond3A_59 = arith.cmpi ne, %convert_element_type3A, %cond3A : i32
      scf.if %cond3A_59 {
        %add3A_74 = arith.constant 2 : i32
        %add3A_75 = arith.addi %mul3A_41, %add3A_74 : i32
        %mul3A_76 = arith.constant 128 : i32
        %mul3A_77 = arith.muli %add3A_75, %mul3A_76 : i32
        %add3A_78 = arith.addi %mul3A_2, %mul3A_77 : i32
        %dma_start3A_79 = tpu.memref_slice %arg4[%add3A_78] : memref<327680xi32, #tpu.memory_space<hbm>> -> memref<128xi32, #tpu.memory_space<hbm>>
        %dma_start3A_80 = tpu.memref_slice %arg4[%add3A_78] : memref<327680xi32, #tpu.memory_space<hbm>> -> memref<128xi32, #tpu.memory_space<hbm>>
        tpu.enqueue_dma source(%dma_start3A_80 : memref<128xi32, #tpu.memory_space<hbm>>) target(%arg9 : memref<128xi32, #tpu.memory_space<vmem>>) target_semaphore(%arg14 : memref<!tpu.dma_semaphore, #tpu.memory_space<semaphore_mem>>)
        %add3A_81 = arith.constant 2 : i32
        %add3A_82 = arith.addi %mul3A_41, %add3A_81 : i32
        %mul3A_83 = arith.constant 128 : i32
        %mul3A_84 = arith.muli %add3A_82, %mul3A_83 : i32
        %dma_start3A_85 = tpu.memref_slice %arg8[%mul3A_84] : memref<10240xi32, #tpu.memory_space<vmem>> -> memref<128xi32, #tpu.memory_space<vmem>>
        %dma_start3A_86 = arith.constant 0 : i32
        %dma_start3A_87 = arith.constant 0 : i32
        %dma_start3A_88 = tpu.memref_slice %arg2[%dma_start3A_86, %dma_start3A_87] : memref<10000x128xf32, #tpu.memory_space<hbm>> -> memref<10000x128xf32, #tpu.memory_space<hbm>>
        tpu.enqueue_indirect_dma source(%dma_start3A_88 : memref<10000x128xf32, #tpu.memory_space<hbm>>) target(%arg6 : memref<128x128xf32, #tpu.memory_space<vmem>>) offsets(%dma_start3A_85 : memref<128xi32, #tpu.memory_space<vmem>>) semaphore(%arg12 : memref<!tpu.dma_semaphore, #tpu.memory_space<semaphore_mem>>)
      } else {
      }
      %dma_wait3A_60 = tpu.memref_slice %arg4[%mul3A_2] : memref<327680xi32, #tpu.memory_space<hbm>> -> memref<128xi32, #tpu.memory_space<hbm>>
      %dma_wait3A_61 = tpu.memref_slice %arg4[%mul3A_2] : memref<327680xi32, #tpu.memory_space<hbm>> -> memref<128xi32, #tpu.memory_space<hbm>>
      tpu.wait_dma2 semaphore(%arg15 : memref<!tpu.dma_semaphore, #tpu.memory_space<semaphore_mem>>) src(%dma_wait3A_61 : memref<128xi32, #tpu.memory_space<hbm>>) dst(%arg10 : memref<128xi32, #tpu.memory_space<vmem>>)
      %dma_wait3A_62 = arith.constant 0 : i32
      %dma_wait3A_63 = tpu.memref_slice %arg8[%dma_wait3A_62] : memref<10240xi32, #tpu.memory_space<vmem>> -> memref<128xi32, #tpu.memory_space<vmem>>
      %dma_wait3A_64 = arith.constant 0 : i32
      %dma_wait3A_65 = arith.constant 0 : i32
      %dma_wait3A_66 = tpu.memref_slice %arg2[%dma_wait3A_64, %dma_wait3A_65] : memref<10000x128xf32, #tpu.memory_space<hbm>> -> memref<10000x128xf32, #tpu.memory_space<hbm>>
      tpu.wait_indirect_dma semaphore(%arg13 : memref<!tpu.dma_semaphore, #tpu.memory_space<semaphore_mem>>) src(%dma_wait3A_66 : memref<10000x128xf32, #tpu.memory_space<hbm>>) dst(%arg7 : memref<128x128xf32, #tpu.memory_space<vmem>>)
      "tpu.region"() ({
        %run_scoped3A = tpu.sem_alloc : memref<!tpu.dma_semaphore, #tpu.memory_space<semaphore_mem>>
        %dma_start3A_74 = arith.constant 0 : i32
        %dma_start3A_75 = arith.constant 0 : i32
        %dma_start3A_76 = tpu.memref_slice %arg11[%dma_start3A_74, %dma_start3A_75] : memref<10240x128xf32, #tpu.memory_space<vmem_shared>> -> memref<10240x128xf32, #tpu.memory_space<vmem_shared>>
        tpu.enqueue_indirect_dma source(%arg7 : memref<128x128xf32, #tpu.memory_space<vmem>>) target(%dma_start3A_76 : memref<10240x128xf32, #tpu.memory_space<vmem_shared>>) offsets(%arg10 : memref<128xi32, #tpu.memory_space<vmem>>) semaphore(%run_scoped3A : memref<!tpu.dma_semaphore, #tpu.memory_space<semaphore_mem>>) {add = true}
        %dma_wait3A_77 = arith.constant 0 : i32
        %dma_wait3A_78 = arith.constant 0 : i32
        %dma_wait3A_79 = tpu.memref_slice %arg11[%dma_wait3A_77, %dma_wait3A_78] : memref<10240x128xf32, #tpu.memory_space<vmem_shared>> -> memref<10240x128xf32, #tpu.memory_space<vmem_shared>>
        tpu.wait_indirect_dma semaphore(%run_scoped3A : memref<!tpu.dma_semaphore, #tpu.memory_space<semaphore_mem>>) src(%arg7 : memref<128x128xf32, #tpu.memory_space<vmem>>) dst(%dma_wait3A_79 : memref<10240x128xf32, #tpu.memory_space<vmem_shared>>)
        tpu.yield
      }) : () -> ()
      %add3A_67 = arith.constant 2 : i32
      %add3A_68 = arith.addi %add3A_43, %add3A_67 : i32
      %lt3A_69 = arith.constant 80 : i32
      %lt3A_70 = arith.cmpi slt, %add3A_68, %lt3A_69 : i32
      %convert_element_type3A_71 = arith.extui %lt3A_70 : i1 to i32
      %cond3A_72 = arith.constant 0 : i32
      %cond3A_73 = arith.cmpi ne, %convert_element_type3A_71, %cond3A_72 : i32
      scf.if %cond3A_73 {
        %add3A_74 = arith.constant 2 : i32
        %add3A_75 = arith.addi %add3A_43, %add3A_74 : i32
        %mul3A_76 = arith.constant 128 : i32
        %mul3A_77 = arith.muli %add3A_75, %mul3A_76 : i32
        %add3A_78 = arith.addi %mul3A_2, %mul3A_77 : i32
        %dma_start3A_79 = tpu.memref_slice %arg4[%add3A_78] : memref<327680xi32, #tpu.memory_space<hbm>> -> memref<128xi32, #tpu.memory_space<hbm>>
        %dma_start3A_80 = tpu.memref_slice %arg4[%add3A_78] : memref<327680xi32, #tpu.memory_space<hbm>> -> memref<128xi32, #tpu.memory_space<hbm>>
        tpu.enqueue_dma source(%dma_start3A_80 : memref<128xi32, #tpu.memory_space<hbm>>) target(%arg10 : memref<128xi32, #tpu.memory_space<vmem>>) target_semaphore(%arg15 : memref<!tpu.dma_semaphore, #tpu.memory_space<semaphore_mem>>)
      } else {
      }
    }
    %scan3A_37 = arith.constant 40 : i32
    %barrier3A_38 = arith.constant 0 : index
    tpu.barrier barrier_id(%barrier3A_38)
    "tpu.region"() ({
      %run_scoped3A = tpu.sem_alloc : memref<!tpu.dma_semaphore, #tpu.memory_space<semaphore_mem>>
      %dma_start3A_39 = arith.constant 0 : i32
      %dma_start3A_40 = tpu.memref_slice %arg5[%arg0, %mul3A_4, %dma_start3A_39] : memref<2x10240x128xf32, #tpu.memory_space<hbm>> -> memref<1x640x128xf32, #tpu.memory_space<hbm>>
      %dma_start3A_41 = tpu.memref_squeeze %dma_start3A_40 : memref<1x640x128xf32, #tpu.memory_space<hbm>> -> memref<640x128xf32, #tpu.memory_space<hbm>>
      %dma_start3A_42 = arith.constant 0 : i32
      %dma_start3A_43 = tpu.memref_slice %arg11[%mul3A_4, %dma_start3A_42] : memref<10240x128xf32, #tpu.memory_space<vmem_shared>> -> memref<640x128xf32, #tpu.memory_space<vmem_shared>>
      tpu.enqueue_dma source(%dma_start3A_43 : memref<640x128xf32, #tpu.memory_space<vmem_shared>>) target(%dma_start3A_41 : memref<640x128xf32, #tpu.memory_space<hbm>>) target_semaphore(%run_scoped3A : memref<!tpu.dma_semaphore, #tpu.memory_space<semaphore_mem>>)
      %dma_wait3A = arith.constant 0 : i32
      %dma_wait3A_44 = tpu.memref_slice %arg5[%arg0, %mul3A_4, %dma_wait3A] : memref<2x10240x128xf32, #tpu.memory_space<hbm>> -> memref<1x640x128xf32, #tpu.memory_space<hbm>>
      %dma_wait3A_45 = tpu.memref_squeeze %dma_wait3A_44 : memref<1x640x128xf32, #tpu.memory_space<hbm>> -> memref<640x128xf32, #tpu.memory_space<hbm>>
      %dma_wait3A_46 = arith.constant 0 : i32
      %dma_wait3A_47 = tpu.memref_slice %arg11[%mul3A_4, %dma_wait3A_46] : memref<10240x128xf32, #tpu.memory_space<vmem_shared>> -> memref<640x128xf32, #tpu.memory_space<vmem_shared>>
      tpu.wait_dma2 semaphore(%run_scoped3A : memref<!tpu.dma_semaphore, #tpu.memory_space<semaphore_mem>>) src(%dma_wait3A_47 : memref<640x128xf32, #tpu.memory_space<vmem_shared>>) dst(%dma_wait3A_45 : memref<640x128xf32, #tpu.memory_space<hbm>>)
      tpu.yield
    }) : () -> ()
    return
  }
}

module attributes {stable_mosaic.version = 14 : i64} {
  func.func @_tc1_body(%arg0: i32, %arg1: memref<1000x128xf32, #tpu.memory_space<vmem>>, %arg2: memref<128x128xf32, #tpu.memory_space<vmem>>, %arg3: memref<2x1000x16xf32, #tpu.memory_space<vmem>>, %arg4: memref<1000x128xf32, #tpu.memory_space<vmem>>) attributes {dimension_semantics = [#tpu.dimension_semantics<arbitrary>], iteration_bounds = array<i64: 10>, scalar_prefetch = 0 : i64, scratch_operands = 0 : i64, tpu.core_type = #tpu.core_type<tc>, window_params = [{transform_indices = @transform_0, window_bounds = array<i64: 1000, 128>}, {pipeline_mode = #tpu.pipeline_mode<synchronous>, transform_indices = @transform_1, window_bounds = array<i64: 128, 128>}, {transform_indices = @transform_2, window_bounds = array<i64: 2, 1000, 16>}, {transform_indices = @transform_3, window_bounds = array<i64: 1000, 128>}]} {
    %get3A = arith.constant 0 : index
    %get3A_0 = arith.constant 0 : index
    %get3A_1 = arith.constant 0 : index
    %get3A_2 = vector.load %arg3[%get3A, %get3A_0, %get3A_1] : memref<2x1000x16xf32, #tpu.memory_space<vmem>>, vector<2x1000x16xf32>
    %slice3A = vector.extract_strided_slice %get3A_2 {offsets = [0, 0, 0], sizes = [1, 1000, 1], strides = [1, 1, 1]} : vector<2x1000x16xf32> to vector<1x1000x1xf32>
    %squeeze3A = vector.shape_cast %slice3A : vector<1x1000x1xf32> to vector<1000x1xf32>
    %slice3A_3 = vector.extract_strided_slice %get3A_2 {offsets = [1, 0, 0], sizes = [1, 1000, 1], strides = [1, 1, 1]} : vector<2x1000x16xf32> to vector<1x1000x1xf32>
    %squeeze3A_4 = vector.shape_cast %slice3A_3 : vector<1x1000x1xf32> to vector<1000x1xf32>
    %add3A = arith.addf %squeeze3A, %squeeze3A_4 : vector<1000x1xf32>
    %add3A_5 = arith.constant 1.000000e+00 : f32
    %add3A_6 = vector.broadcast %add3A_5 : f32 to vector<1000x1xf32>
    %add3A_7 = arith.addf %add3A, %add3A_6 : vector<1000x1xf32>
    %rsqrt3A = math.rsqrt %add3A_7 : vector<1000x1xf32>
    %get3A_8 = arith.constant 0 : index
    %get3A_9 = arith.constant 0 : index
    %get3A_10 = vector.load %arg1[%get3A_8, %get3A_9] : memref<1000x128xf32, #tpu.memory_space<vmem>>, vector<1000x128xf32>
    %get3A_11 = arith.constant 0 : index
    %get3A_12 = arith.constant 0 : index
    %get3A_13 = vector.load %arg2[%get3A_11, %get3A_12] : memref<128x128xf32, #tpu.memory_space<vmem>>, vector<128x128xf32>
    %dot_general3A = arith.constant dense<0.000000e+00> : vector<1000x128xf32>
    %dot_general3A_14 = tpu.matmul %get3A_10, %get3A_13, %dot_general3A {dimension_numbers = #tpu.dot_dimension_numbers<[1], [0], [0], [1], [0, 0, 1, 1], [], []>, precision = #tpu.contract_precision<fp32>, transpose_lhs_hint = false} : vector<1000x128xf32>, vector<128x128xf32>, vector<1000x128xf32> -> vector<1000x128xf32>
    %mul3A = vector.broadcast %rsqrt3A : vector<1000x1xf32> to vector<1000x128xf32>
    %mul3A_15 = arith.mulf %dot_general3A_14, %mul3A : vector<1000x128xf32>
    %swap3A = arith.constant 0 : index
    %swap3A_16 = arith.constant 0 : index
    %swap3A_17 = vector.load %arg4[%swap3A, %swap3A_16] : memref<1000x128xf32, #tpu.memory_space<vmem>>, vector<1000x128xf32>
    tpu.vector_store %arg4[%swap3A, %swap3A_16], %mul3A_15 {strides = array<i32>} : memref<1000x128xf32, #tpu.memory_space<vmem>>, vector<1000x128xf32>,
    return
  }
  func.func @transform_0(%arg0: i32) -> (i32, i32) {
    %c0_i32 = arith.constant 0 : i32
    %c0_i32_0 = arith.constant 0 : i32
    return %arg0, %c0_i32 : i32, i32
  }
  func.func @transform_1(%arg0: i32) -> (i32, i32) {
    %c0_i32 = arith.constant 0 : i32
    %c0_i32_0 = arith.constant 0 : i32
    %c0_i32_1 = arith.constant 0 : i32
    return %c0_i32, %c0_i32_0 : i32, i32
  }
  func.func @transform_2(%arg0: i32) -> (i32, i32, i32) {
    %c0_i32 = arith.constant 0 : i32
    %c0_i32_0 = arith.constant 0 : i32
    %c0_i32_1 = arith.constant 0 : i32
    return %c0_i32, %arg0, %c0_i32_0 : i32, i32, i32
  }
  func.func @transform_3(%arg0: i32) -> (i32, i32) {
    %c0_i32 = arith.constant 0 : i32
    %c0_i32_0 = arith.constant 0 : i32
    return %arg0, %c0_i32 : i32, i32
  }
}

module attributes {stable_mosaic.version = 14 : i64} {
  func.func @_tc2_body(%arg0: i32, %arg1: memref<2x1000x128xf32, #tpu.memory_space<vmem>>, %arg2: memref<1000x128xf32, #tpu.memory_space<vmem>>, %arg3: memref<2x1000x16xf32, #tpu.memory_space<vmem>>, %arg4: memref<128x16xf32, #tpu.memory_space<vmem>>, %arg5: memref<1x128xf32, #tpu.memory_space<vmem>>, %arg6: memref<1000x16xf32, #tpu.memory_space<vmem>>) attributes {dimension_semantics = [#tpu.dimension_semantics<arbitrary>], iteration_bounds = array<i64: 10>, scalar_prefetch = 0 : i64, scratch_operands = 0 : i64, tpu.core_type = #tpu.core_type<tc>, window_params = [{transform_indices = @transform_0, window_bounds = array<i64: 2, 1000, 128>}, {transform_indices = @transform_1, window_bounds = array<i64: 1000, 128>}, {transform_indices = @transform_2, window_bounds = array<i64: 2, 1000, 16>}, {pipeline_mode = #tpu.pipeline_mode<synchronous>, transform_indices = @transform_3, window_bounds = array<i64: 128, 16>}, {pipeline_mode = #tpu.pipeline_mode<synchronous>, transform_indices = @transform_4, window_bounds = array<i64: 1, 128>}, {transform_indices = @transform_5, window_bounds = array<i64: 1000, 16>}]} {
    %get3A = arith.constant 0 : index
    %get3A_0 = arith.constant 0 : index
    %get3A_1 = arith.constant 0 : index
    %get3A_2 = vector.load %arg3[%get3A, %get3A_0, %get3A_1] : memref<2x1000x16xf32, #tpu.memory_space<vmem>>, vector<2x1000x16xf32>
    %slice3A = vector.extract_strided_slice %get3A_2 {offsets = [0, 0, 0], sizes = [1, 1000, 1], strides = [1, 1, 1]} : vector<2x1000x16xf32> to vector<1x1000x1xf32>
    %squeeze3A = vector.shape_cast %slice3A : vector<1x1000x1xf32> to vector<1000x1xf32>
    %slice3A_3 = vector.extract_strided_slice %get3A_2 {offsets = [1, 0, 0], sizes = [1, 1000, 1], strides = [1, 1, 1]} : vector<2x1000x16xf32> to vector<1x1000x1xf32>
    %squeeze3A_4 = vector.shape_cast %slice3A_3 : vector<1x1000x1xf32> to vector<1000x1xf32>
    %add3A = arith.addf %squeeze3A, %squeeze3A_4 : vector<1000x1xf32>
    %add3A_5 = arith.constant 1.000000e+00 : f32
    %add3A_6 = vector.broadcast %add3A_5 : f32 to vector<1000x1xf32>
    %add3A_7 = arith.addf %add3A, %add3A_6 : vector<1000x1xf32>
    %rsqrt3A = math.rsqrt %add3A_7 : vector<1000x1xf32>
    %get3A_8 = arith.constant 0 : index
    %get3A_9 = arith.constant 0 : index
    %get3A_10 = arith.constant 0 : index
    %get3A_11 = vector.load %arg1[%get3A_8, %get3A_9, %get3A_10] : memref<2x1000x128xf32, #tpu.memory_space<vmem>>, vector<1x1000x128xf32>
    %get3A_12 = vector.shape_cast %get3A_11 : vector<1x1000x128xf32> to vector<1000x128xf32>
    %get3A_13 = arith.constant 1 : index
    %get3A_14 = arith.constant 0 : index
    %get3A_15 = arith.constant 0 : index
    %get3A_16 = vector.load %arg1[%get3A_13, %get3A_14, %get3A_15] : memref<2x1000x128xf32, #tpu.memory_space<vmem>>, vector<1x1000x128xf32>
    %get3A_17 = vector.shape_cast %get3A_16 : vector<1x1000x128xf32> to vector<1000x128xf32>
    %add3A_18 = arith.addf %get3A_12, %get3A_17 : vector<1000x128xf32>
    %get3A_19 = arith.constant 0 : index
    %get3A_20 = arith.constant 0 : index
    %get3A_21 = vector.load %arg2[%get3A_19, %get3A_20] : memref<1000x128xf32, #tpu.memory_space<vmem>>, vector<1000x128xf32>
    %add3A_22 = arith.addf %add3A_18, %get3A_21 : vector<1000x128xf32>
    %mul3A = vector.broadcast %rsqrt3A : vector<1000x1xf32> to vector<1000x128xf32>
    %mul3A_23 = arith.mulf %mul3A, %add3A_22 : vector<1000x128xf32>
    %get3A_24 = arith.constant 0 : index
    %get3A_25 = arith.constant 0 : index
    %get3A_26 = vector.load %arg5[%get3A_24, %get3A_25] : memref<1x128xf32, #tpu.memory_space<vmem>>, vector<1x128xf32>
    %add3A_27 = vector.broadcast %get3A_26 : vector<1x128xf32> to vector<1000x128xf32>
    %add3A_28 = arith.addf %mul3A_23, %add3A_27 : vector<1000x128xf32>
    %max3A = arith.constant 0.000000e+00 : f32
    %max3A_29 = vector.broadcast %max3A : f32 to vector<1000x128xf32>
    %max3A_30 = arith.maximumf %add3A_28, %max3A_29 : vector<1000x128xf32>
    %get3A_31 = arith.constant 0 : index
    %get3A_32 = arith.constant 0 : index
    %get3A_33 = vector.load %arg4[%get3A_31, %get3A_32] : memref<128x16xf32, #tpu.memory_space<vmem>>, vector<128x16xf32>
    %dot_general3A = arith.constant dense<0.000000e+00> : vector<1000x16xf32>
    %dot_general3A_34 = tpu.matmul %max3A_30, %get3A_33, %dot_general3A {dimension_numbers = #tpu.dot_dimension_numbers<[1], [0], [0], [1], [0, 0, 1, 1], [], []>, precision = #tpu.contract_precision<fp32>, transpose_lhs_hint = false} : vector<1000x128xf32>, vector<128x16xf32>, vector<1000x16xf32> -> vector<1000x16xf32>
    %mul3A_35 = vector.broadcast %rsqrt3A : vector<1000x1xf32> to vector<1000x16xf32>
    %mul3A_36 = arith.mulf %dot_general3A_34, %mul3A_35 : vector<1000x16xf32>
    %swap3A = arith.constant 0 : index
    %swap3A_37 = arith.constant 0 : index
    %swap3A_38 = vector.load %arg6[%swap3A, %swap3A_37] : memref<1000x16xf32, #tpu.memory_space<vmem>>, vector<1000x16xf32>
    tpu.vector_store %arg6[%swap3A, %swap3A_37], %mul3A_36 {strides = array<i32>} : memref<1000x16xf32, #tpu.memory_space<vmem>>, vector<1000x16xf32>,
    return
  }
  func.func @transform_0(%arg0: i32) -> (i32, i32, i32) {
    %c0_i32 = arith.constant 0 : i32
    %c0_i32_0 = arith.constant 0 : i32
    %c0_i32_1 = arith.constant 0 : i32
    return %c0_i32, %arg0, %c0_i32_0 : i32, i32, i32
  }
  func.func @transform_1(%arg0: i32) -> (i32, i32) {
    %c0_i32 = arith.constant 0 : i32
    %c0_i32_0 = arith.constant 0 : i32
    return %arg0, %c0_i32 : i32, i32
  }
  func.func @transform_2(%arg0: i32) -> (i32, i32, i32) {
    %c0_i32 = arith.constant 0 : i32
    %c0_i32_0 = arith.constant 0 : i32
    %c0_i32_1 = arith.constant 0 : i32
    return %c0_i32, %arg0, %c0_i32_0 : i32, i32, i32
  }
  func.func @transform_3(%arg0: i32) -> (i32, i32) {
    %c0_i32 = arith.constant 0 : i32
    %c0_i32_0 = arith.constant 0 : i32
    %c0_i32_1 = arith.constant 0 : i32
    return %c0_i32, %c0_i32_0 : i32, i32
  }
  func.func @transform_4(%arg0: i32) -> (i32, i32) {
    %c0_i32 = arith.constant 0 : i32
    %c0_i32_0 = arith.constant 0 : i32
    %c0_i32_1 = arith.constant 0 : i32
    return %c0_i32, %c0_i32_0 : i32, i32
  }
  func.func @transform_5(%arg0: i32) -> (i32, i32) {
    %c0_i32 = arith.constant 0 : i32
    %c0_i32_0 = arith.constant 0 : i32
    return %arg0, %c0_i32 : i32, i32
  }
}

module attributes {stable_mosaic.version = 14 : i64} {
  func.func @_tc3_body(%arg0: i32, %arg1: memref<2x1000x16xf32, #tpu.memory_space<vmem>>, %arg2: memref<1000x16xf32, #tpu.memory_space<vmem>>, %arg3: memref<2x1000x16xf32, #tpu.memory_space<vmem>>, %arg4: memref<1x16xf32, #tpu.memory_space<vmem>>, %arg5: memref<1000x16xf32, #tpu.memory_space<vmem>>) attributes {dimension_semantics = [#tpu.dimension_semantics<arbitrary>], iteration_bounds = array<i64: 10>, scalar_prefetch = 0 : i64, scratch_operands = 0 : i64, tpu.core_type = #tpu.core_type<tc>, window_params = [{transform_indices = @transform_0, window_bounds = array<i64: 2, 1000, 16>}, {transform_indices = @transform_1, window_bounds = array<i64: 1000, 16>}, {transform_indices = @transform_2, window_bounds = array<i64: 2, 1000, 16>}, {pipeline_mode = #tpu.pipeline_mode<synchronous>, transform_indices = @transform_3, window_bounds = array<i64: 1, 16>}, {transform_indices = @transform_4, window_bounds = array<i64: 1000, 16>}]} {
    %get3A = arith.constant 0 : index
    %get3A_0 = arith.constant 0 : index
    %get3A_1 = arith.constant 0 : index
    %get3A_2 = vector.load %arg3[%get3A, %get3A_0, %get3A_1] : memref<2x1000x16xf32, #tpu.memory_space<vmem>>, vector<2x1000x16xf32>
    %slice3A = vector.extract_strided_slice %get3A_2 {offsets = [0, 0, 0], sizes = [1, 1000, 1], strides = [1, 1, 1]} : vector<2x1000x16xf32> to vector<1x1000x1xf32>
    %squeeze3A = vector.shape_cast %slice3A : vector<1x1000x1xf32> to vector<1000x1xf32>
    %slice3A_3 = vector.extract_strided_slice %get3A_2 {offsets = [1, 0, 0], sizes = [1, 1000, 1], strides = [1, 1, 1]} : vector<2x1000x16xf32> to vector<1x1000x1xf32>
    %squeeze3A_4 = vector.shape_cast %slice3A_3 : vector<1x1000x1xf32> to vector<1000x1xf32>
    %add3A = arith.addf %squeeze3A, %squeeze3A_4 : vector<1000x1xf32>
    %add3A_5 = arith.constant 1.000000e+00 : f32
    %add3A_6 = vector.broadcast %add3A_5 : f32 to vector<1000x1xf32>
    %add3A_7 = arith.addf %add3A, %add3A_6 : vector<1000x1xf32>
    %rsqrt3A = math.rsqrt %add3A_7 : vector<1000x1xf32>
    %get3A_8 = arith.constant 0 : index
    %get3A_9 = arith.constant 0 : index
    %get3A_10 = arith.constant 0 : index
    %get3A_11 = vector.load %arg1[%get3A_8, %get3A_9, %get3A_10] : memref<2x1000x16xf32, #tpu.memory_space<vmem>>, vector<1x1000x16xf32>
    %get3A_12 = vector.shape_cast %get3A_11 : vector<1x1000x16xf32> to vector<1000x16xf32>
    %get3A_13 = arith.constant 1 : index
    %get3A_14 = arith.constant 0 : index
    %get3A_15 = arith.constant 0 : index
    %get3A_16 = vector.load %arg1[%get3A_13, %get3A_14, %get3A_15] : memref<2x1000x16xf32, #tpu.memory_space<vmem>>, vector<1x1000x16xf32>
    %get3A_17 = vector.shape_cast %get3A_16 : vector<1x1000x16xf32> to vector<1000x16xf32>
    %add3A_18 = arith.addf %get3A_12, %get3A_17 : vector<1000x16xf32>
    %get3A_19 = arith.constant 0 : index
    %get3A_20 = arith.constant 0 : index
    %get3A_21 = vector.load %arg2[%get3A_19, %get3A_20] : memref<1000x16xf32, #tpu.memory_space<vmem>>, vector<1000x16xf32>
    %add3A_22 = arith.addf %add3A_18, %get3A_21 : vector<1000x16xf32>
    %mul3A = vector.broadcast %rsqrt3A : vector<1000x1xf32> to vector<1000x16xf32>
    %mul3A_23 = arith.mulf %mul3A, %add3A_22 : vector<1000x16xf32>
    %get3A_24 = arith.constant 0 : index
    %get3A_25 = arith.constant 0 : index
    %get3A_26 = vector.load %arg4[%get3A_24, %get3A_25] : memref<1x16xf32, #tpu.memory_space<vmem>>, vector<1x16xf32>
    %add3A_27 = vector.broadcast %get3A_26 : vector<1x16xf32> to vector<1000x16xf32>
    %add3A_28 = arith.addf %mul3A_23, %add3A_27 : vector<1000x16xf32>
    %swap3A = arith.constant 0 : index
    %swap3A_29 = arith.constant 0 : index
    %swap3A_30 = vector.load %arg5[%swap3A, %swap3A_29] : memref<1000x16xf32, #tpu.memory_space<vmem>>, vector<1000x16xf32>
    tpu.vector_store %arg5[%swap3A, %swap3A_29], %add3A_28 {strides = array<i32>} : memref<1000x16xf32, #tpu.memory_space<vmem>>, vector<1000x16xf32>,
    return
  }
  func.func @transform_0(%arg0: i32) -> (i32, i32, i32) {
    %c0_i32 = arith.constant 0 : i32
    %c0_i32_0 = arith.constant 0 : i32
    %c0_i32_1 = arith.constant 0 : i32
    return %c0_i32, %arg0, %c0_i32_0 : i32, i32, i32
  }
  func.func @transform_1(%arg0: i32) -> (i32, i32) {
    %c0_i32 = arith.constant 0 : i32
    %c0_i32_0 = arith.constant 0 : i32
    return %arg0, %c0_i32 : i32, i32
  }
  func.func @transform_2(%arg0: i32) -> (i32, i32, i32) {
    %c0_i32 = arith.constant 0 : i32
    %c0_i32_0 = arith.constant 0 : i32
    %c0_i32_1 = arith.constant 0 : i32
    return %c0_i32, %arg0, %c0_i32_0 : i32, i32, i32
  }
  func.func @transform_3(%arg0: i32) -> (i32, i32) {
    %c0_i32 = arith.constant 0 : i32
    %c0_i32_0 = arith.constant 0 : i32
    %c0_i32_1 = arith.constant 0 : i32
    return %c0_i32, %c0_i32_0 : i32, i32
  }
  func.func @transform_4(%arg0: i32) -> (i32, i32) {
    %c0_i32 = arith.constant 0 : i32
    %c0_i32_0 = arith.constant 0 : i32
    return %arg0, %c0_i32 : i32, i32
  }
}

</mosaic_0001>

<sc_bundles>
// kernel: kernel.11.cloned.1.call-start
scs
__scs_entry_jumppad:
0x0: {  	(pc) =	sbr.rel $0x88, $3  }
0x1: {  	(tag) =	ssettag $0x0;
	lr =	simm.s32 $0x1  }
0x2: {  	[smem:$0x3F9B] =	sst lr;
	_ =	strace $0xD0000000  }
0x3: {  	_ = 	snop  }
0x4: {  	_ = 	snop  }
0x5: {  	_ = 	snop  }
0x6: {  	_ = 	snop  }
0x7: {  	_ = 	snop  }
__scs_overlays_trampoline_lowered:
0x8: {  	[smem:$0x3FAA] =	sst s0  }
0x9: {  	[smem:$0x3FAB] =	sst s1  }
0xa: {  	[smem:$0x3FAC] =	sst s2  }
0xb: {  	[smem:$0x3FAD] =	sst s3  }
0xc: {  	[smem:$0x3FAE] =	sst s4  }
0xd: {  	[smem:$0x3FAF] =	sst s5  }
0xe: {  	[smem:$0x3FB0] =	sst s6  }
0xf: {  	[smem:$0x3FB1] =	sst s7  }
0x10: {  	[smem:$0x3FB2] =	sst s8  }
0x11: {  	[smem:$0x3FB3] =	sst s9;
	s0 =	simm.s32 @!p0 $0x0  }
0x12: {  	s1 =	sld [smem:$0x3F99];
	s0 =	simm.s32 @p0 $0x1  }
0x13: {  	[smem:$0x3FB4] =	sst s0;
	s0 =	simm.s32 @!p1 $0x0  }
0x14: {  	s2 =	sld [smem:$0x3F98];
	s0 =	simm.s32 @p1 $0x1  }
0x15: {  	[smem:$0x3FB5] =	sst s0;
	s0 =	simm.s32 @!p2 $0x0  }
0x16: {  	s3 =	sld [smem:$0x3FDB];
	s0 =	simm.s32 @p2 $0x1  }
0x17: {  	s4 =	simm.s32 $0x1BF5;
	[smem:$0x3FB7] =	sst s0  }
0x18: {  	s0 =	sld [smem:$0x3F9A];
	_ =	swait.ge [sflag:s4], $0x0  }
0x19: {  	s7 =	sld [smem:$0x3F9B]  }
0x1a: {  	s8 =	sadd.s32 $0xFFFFE003, lr  }
0x1b: {  	s9 =	sadd.s32 $0xFFFFFEF7, lr;
	s5 =	simm.s32 $0xFFFFFFFF;
	p2 =	slt.u32 s8, $0xFFFFF086  }
0x1c: {  	p1 =	slt.u32 s9, $0xF7A;
	s5 =	simm.s32 @!p2 $0x0  }
0x1d: {  	s5 =	simm.s32 @p1 $0x1;
	p0 =	seq.s32 s7, s2  }
0x1e: {  	s7 =	smul.u32 @!p0 $0xF7A, s2;
	p2 =	seq.s32 @!p0 s5, $0x0  }
0x1f: {  	s9 =	smul.u32 $0xF7A, s1;
	s8 =	simm.s32 @!p0 $0x1BF5;
	p2 =	por !p2, p0  }
0x20: {  	[sflag:s8] =	ssyncset.s32 @!p0 $0xFFFFF086;
	s6 =	sadd.s32 @!p0 s3, s7;
	s7 =	simm.s32 @!p0 $0x108  }
0x21: {  	s3 =	sadd.s32 s3, s9;
	s6 =	sadd.s32 @!p0 $0x88, s6;
	s7 =	simm.s32 @p2 $0x1082  }
0x22: {  	[simem:s7], [sflag:s8] =	dma.local @!p0 [hbm:s6], $0xF7A  }
0x23: {  	s9 =	sor.u32 $0xD0000000, s2;
	s6 =	simm.s32 $0x108;
	_ =	swait.ge @!p0 [sflag:s8], $0x0  }
0x24: {  	s3 =	sadd.s32 $0x88, s3;
	s6 =	simm.s32 @!p1 $0x1082;
	[sflag:s4] =	ssyncset.s32 $0xFFFFF086  }
0x25: {  	[simem:s6], [sflag:s4] =	dma.local [hbm:s3], $0xF7A  }
0x26: {  	[smem:$0x3F9B] =	sst s1;
	(tag) =	ssettag s2;
	_ =	strace s9  }
0x27: {  	s1 =	sld [smem:$0x3FAB]  }
0x28: {  	s2 =	sld [smem:$0x3FAC]  }
0x29: {  	s4 =	sld [smem:$0x3FAE]  }
0x2a: {  	p0 =	seq.s32 s5, $0x0;
	s5 =	sld [smem:$0x3FAF]  }
0x2b: {  	s6 =	sld [smem:$0x3FB0]  }
0x2c: {  	s7 =	sld [smem:$0x3FB1]  }
0x2d: {  	s3 =	simm.s32 $0x108;
	s8 =	sld [smem:$0x3FB2]  }
0x2e: {  	s3 =	simm.s32 @!p0 $0x1082;
	s9 =	sld [smem:$0x3FB3]  }
0x2f: {  	lr =	sadd.s32 s0, s3;
	s0 =	sld [smem:$0x3FAA]  }
0x30: {  	s3 =	sld [smem:$0x3FAD]  }
0x31: {  	[smem:$0x3FB6] =	sst s10  }
0x32: {  	s10 =	sld [smem:$0x3FB4];
	_ =	sdelay $0x3  }
0x33: {  	p0 =	seq.s32 s10, $0x1;
	s10 =	sld [smem:$0x3FB6];
	_ =	sdelay $0x3  }
0x34: {  	[smem:$0x3FB6] =	sst s10  }
0x35: {  	s10 =	sld [smem:$0x3FB5];
	_ =	sdelay $0x3  }
0x36: {  	p1 =	seq.s32 s10, $0x1;
	s10 =	sld [smem:$0x3FB6];
	_ =	sdelay $0x3  }
0x37: {  	[smem:$0x3FB6] =	sst s10  }
0x38: {  	s10 =	sld [smem:$0x3FB7]  }
0x39: {  	_ = 	snop;
	(pc) =	sbr.ind lr, $3  }
0x3a: {  	_ = 	snop  }
0x3b: {  	_ = 	snop  }
0x3c: {  	p2 =	seq.s32 s10, $0x1;
	s10 =	sld [smem:$0x3FB6]  }
0x3d: {  	_ =	shalt  }
0x3e: {  	_ =	shalt  }
0x3f: {  	_ =	shalt  }
0x40: {  	_ =	shalt  }
0x41: {  	_ =	shalt  }
0x42: {  	_ =	shalt  }
0x43: {  	_ =	shalt  }
0x44: {  	_ =	shalt  }
0x45: {  	_ =	shalt  }
0x46: {  	_ =	shalt  }
0x47: {  	_ =	shalt  }
0x48: {  	_ =	shalt  }
0x49: {  	_ =	shalt  }
0x4a: {  	_ =	shalt  }
0x4b: {  	_ =	shalt  }
0x4c: {  	_ =	shalt  }
0x4d: {  	_ =	shalt  }
0x4e: {  	_ =	shalt  }
0x4f: {  	_ =	shalt  }
0x50: {  	_ =	shalt  }
0x51: {  	_ =	shalt  }
0x52: {  	_ =	shalt  }
0x53: {  	_ =	shalt  }
0x54: {  	_ =	shalt  }
0x55: {  	_ =	shalt  }
0x56: {  	_ =	shalt  }
0x57: {  	_ =	shalt  }
0x58: {  	_ =	shalt  }
0x59: {  	_ =	shalt  }
0x5a: {  	_ =	shalt  }
0x5b: {  	_ =	shalt  }
0x5c: {  	_ =	shalt  }
0x5d: {  	_ =	shalt  }
0x5e: {  	_ =	shalt  }
0x5f: {  	_ =	shalt  }
0x60: {  	_ =	shalt  }
0x61: {  	_ =	shalt  }
0x62: {  	_ =	shalt  }
0x63: {  	_ =	shalt  }
0x64: {  	_ =	shalt  }
0x65: {  	_ =	shalt  }
0x66: {  	_ =	shalt  }
0x67: {  	_ =	shalt  }
0x68: {  	_ =	shalt  }
0x69: {  	_ =	shalt  }
0x6a: {  	_ =	shalt  }
0x6b: {  	_ =	shalt  }
0x6c: {  	_ =	shalt  }
0x6d: {  	_ =	shalt  }
0x6e: {  	_ =	shalt  }
0x6f: {  	_ =	shalt  }
0x70: {  	_ =	shalt  }
0x71: {  	_ =	shalt  }
0x72: {  	_ =	shalt  }
0x73: {  	_ =	shalt  }
0x74: {  	_ =	shalt  }
0x75: {  	_ =	shalt  }
0x76: {  	_ =	shalt  }
0x77: {  	_ =	shalt  }
0x78: {  	_ =	shalt  }
0x79: {  	_ =	shalt  }
0x7a: {  	_ =	shalt  }
0x7b: {  	_ =	shalt  }
0x7c: {  	_ =	shalt  }
0x7d: {  	_ =	shalt  }
0x7e: {  	_ =	shalt  }
0x7f: {  	_ =	shalt  }
0x80: {  	_ =	shalt  }
0x81: {  	_ =	shalt  }
0x82: {  	_ =	shalt  }
0x83: {  	_ =	shalt  }
0x84: {  	_ =	shalt  }
0x85: {  	_ =	shalt  }
0x86: {  	_ =	shalt  }
0x87: {  	_ =	shalt  }
.Lfunc_end0:
.L_simem_size_0:
called_computation.1_lowered:
.L_overlay_start_0:
0x88: {  	s2 =	sld [smem:$0x3FD9]  }
0x89: {  	s3 =	sld [smem:$0x3FFE];
	_ =	sdelay $0x1  }
0x8a: {  	s1 =	srdreg.scid  }
0x8b: {  	s0 =	sand.u32 $0x1, s1  }
0x8c: {  	s16 =	sshll.u32 s0, $0xA;
	s2 =	sadd.s32 s3, s2  }
0x8d: {  	s2 =	sadd.s32 s2, s16  }
0x8e: {  	[smem:$0x3FC2] =	sst s2  }
0x8f: {  	_ = 	snop  }
0x90: {  	(tm) =	ssettm $0x1  }
0x91: {  	s17 =	sld [smem:$0x3FFB];
	_ =	sdelay $0x3  }
0x92: {  	_ =	strace s17  }
0x93: {  	s2 =	sld [smem:$0x3FFC];
	_ =	sdelay $0x3  }
0x94: {  	_ =	strace s2  }
0x95: {  	s2 =	sld [smem:$0x3FFD];
	_ =	sdelay $0x3  }
0x96: {  	_ =	strace s2  }
0x97: {  	_ =	strace $0x8FFFFFFF  }
0x98: {  	s18 =	sld [smem:$0x3FDB];
	_ =	sdelay $0x1  }
0x99: {  	s19 =	simm.s32 $_scs_section_size  }
0x9a: {  	s4 =	simm.s32 $_size__tile_overlayer_lowered;
	s5 =	simm.s32 $_tile_overlayer_lowered  }
0x9b: {  	s22 =	simm.s32 $0x1BFF;
	s21 =	sshll.u32 s5, $0x1;
	s2 =	sadd.s32 s19, s18  }
0x9c: {  	s6 =	simm.s32 $0x0;
	s20 =	sshll.u32 s4, $0x1;
	s4 =	sadd.s32 s21, s2  }
0x9d: {  	[timem:s6], [sflag:s22] =	dma.local [hbm:s4], s20  }
0x9e: {  	_ =	swait.ge [sflag:s22], s20  }
0x9f: {  	s3 =	ssub.s32 $0x0, s20;
	[sflag:s22] =	ssyncset.done $0x0  }
0xa0: {  	[sflag:s22] =	ssyncadd.s32 s3;
	_ =	sdelay $0x1  }
0xa1: {  	s23 =	simm.s32 $0x1B8B  }
0xa2: {  	_ =	swait.ge [sflag:s23], $0x1  }
0xa3: {  	[sflag:s23] =	ssyncset.done $0x0  }
0xa4: {  	s25 =	simm.s32 $0x1B8E;
	s24 =	sld [smem:$0x3FFE];
	[sflag:s23] =	ssyncadd.s32 $0xFFFFFFFF  }
0xa5: {  	s26 =	simm.s32 $execute0_lowered;
	[smem:$0x3FD2] =	sst s25  }
0xa6: {  	s4 =	sshll.u32 s26, $0x1;
	_ =	strace $0x80000049;
	[dreg:$0x1] =	wrdreg $0xFFFFFFFF  }
0xa7: {  	s28 =	simm.s32 $_size_execute0_lowered;
	s2 =	sadd.s32 s2, s4;
	[dreg:$0x0] =	wrdreg $0x0  }
0xa8: {  	s4 =	sshll.u32 s28, $0x1;
	[dreg:$0x2] =	wrdreg s2  }
0xa9: {  	[dreg:$0x3] =	wrdreg s4  }
0xaa: {  	[dreg:$0x4] =	wrdreg $0xC0  }
0xab: {  	_ =	task [dreg:s6], $0x5FFFF  }
0xac: {  	[dreg:$0x1] =	wrdreg $0xFFFFFFFF  }
0xad: {  	[dreg:$0x0] =	wrdreg $0x60  }
0xae: {  	[dreg:$0x2] =	wrdreg s24  }
0xaf: {  	[dreg:$0x3] =	wrdreg $0xA9000  }
0xb0: {  	[dreg:$0x4] =	wrdreg $0x9  }
0xb1: {  	_ =	task.clear_ibuf [dreg:s6], $0x5FFFF;
	_ =	strace $0x90000049  }
0xb2: {  	s29 =	simm.s32 $0x9;
	_ =	strace $0x8000004B  }
0xb3: {  	_ =	swait.ge [sflag:s29], $0x1  }
0xb4: {  	[sflag:s29] =	ssyncadd.s32 $0xFFFFFFFF  }
0xb5: {  	_ =	strace $0x9000004B  }
0xb6: {  	_ =	sfence  }
0xb7: {  	s30 =	sld [smem:$0x0];
	_ =	sdelay $0x2  }
0xb8: {  	s31 =	sshll.u32 s1, $0xD;
	s1 =	sshrl.u32 s1, $0x2  }
0xb9: {  	s3 =	sand.u32 $0x4000, s31;
	s1 =	sadd.s32 s1, s30  }
0xba: {  	s0 =	sor.u32 s3, s0;
	s1 =	sshll.u32 s1, $0x11  }
0xbb: {  	s0 =	sor.u32 s1, s0  }
0xbc: {  	s0 =	sadd.s32 $0x8F2B, s0  }
0xbd: {  	[sflag:s0] =	ssyncadd.remote.s32 $0x1  }
0xbe: {  	_ =	sfence.sel $0xFFFF  }
0xbf: {  	[dreg:$0x0] =	wrdreg $0xFFFFFFFF;
	(pc) =	sbr.abs _section_cstart, $3  }
0xc0: {  	[dreg:$0x1] =	wrdreg $0xFFFFFFFF  }
0xc1: {  	_ =	task.clear_ibuf [dreg:s6], $0x2FFFF;
	_ =	strace $0x9FFFFFFF  }
0xc2: {  	(tm) =	ssettm $0x7FFFFFFF  }
0xc3: {  	_ =	shalt  }
tec
execute0_lowered:
.L_overlay_start_1:
0x0: {  	(tag) =	ssettag $0x1  }
0x1: {  	s1 =	srdreg.scid  }
0x2: {  	s0 =	stileid.u32;
	s5 =	rddreg [dreg:$0x0]  }
0x3: {  	s17 =	simm.s32 $0x5;
	s18 =	simm.s32 $0x8000;
	s19 =	simm.s32 $0xA800  }
0x4: {  	s20 =	simm.s32 $0xA880;
	s21 =	simm.s32 $0x80;
	s22 =	simm.s32 $0x4000  }
0x5: {  	s23 =	simm.s32 $0x3;
	s28 =	simm.s32 $0xA780;
	s7 =	smul.u32 $0x14000, s0  }
0x6: {  	s29 =	simm.s32 $0x0;
	s1 =	sand.u32 $0x1, s1;
	s25 =	smul.u32 $0x50000, s0  }
0x7: {  	s2 =	sshll.u32 s0, $0x1;
	s4 =	sadd.s32 $0x65E00, s5;
	s12 =	smul.u32 $0x5000, s0  }
0x8: {  	s16 =	sadd.s32 $0x1E00, s5;
	s3 =	sor.u32 s1, s2;
	s8 =	smul.u32 $0x140000, s1  }
0x9: {  	s2 =	rddreg [dreg:$0x1];
	s9 =	ssub.s32 $0x2, s1;
	s1 =	smul.u32 $0x2800, s1  }
0xa: {  	s6 =	smul.u32 $0x2800, s3;
	s3 =	simm.s32 $0x0;
	s26 =	sshrl.u32 s9, $0x1  }
0xb: {  	s30 =	sshrl.u32 s25, $0x2;
	s25 =	simm.s32 $0x4;
	[smem:$0x7FF] =	sst s3  }
0xc: {  	s24 =	sadd.s32 s7, s8;
	s14 =	ssub.s32 s9, s26;
	s31 =	sadd.s32 s30, s2  }
0xd: {  	s1 =	sadd.s32 s1, s12;
	s26 =	simm.s32 $0x2;
	_ =	strace $0x8000004A  }
0xe: {  	s11 =	sshrl.u32 s6, $0x3;
	s6 =	sshrl.u32 s24, $0x3;
	s8 =	sadd.s32 $0xC000, s31  }
0xf: {  	s9 =	sadd.s32 $0x10000, s31;
	s15 =	sor.u32 $0x180, s1;
	s1 =	sor.u32 $0x100, s1  }
0x10: {  	s14 =	smax.u32 s14, $0x1;
	s24 =	simm.s32 $0x1;
	s10 =	sadd.s32 s11, s5  }
0x11: {  	s13 =	sadd.s32 s6, s5;
	s5 =	sadd.s32 s7, s2;
	s6 =	sadd.s32 $0x4000, s31  }
0x12: {  	s7 =	sadd.s32 $0x8000, s31;
	s11 =	sadd.s32 s16, s11;
	s15 =	sshrl.u32 s15, $0x3  }
0x13: {  	s1 =	sshrl.u32 s1, $0x3;
	s10 =	sadd.s32 $0xBE00, s10;
	s12 =	sadd.s32 $0x10, s11  }
0x14: {  	v0 =	vimm.f32 $0.0e+00;
	s13 =	sadd.s32 $0x8D000, s13;
	s15 =	sadd.s32 s15, s16;
	s16 =	sadd.s32 s1, s16  }
.LBB2_1:
0x15: {  	s30 =	simm.s32 $0x0;
	s31 =	simm.s32 $0x200  }
.LBB2_2:
0x16: {  	p0 =	sne.s32 s31, $0xFE00;
	[tilespmem:s30+$0x70] =	vst v0  }
0x17: {  	[tilespmem:s30+$0x0] =	vst v0  }
0x18: {  	[tilespmem:s30+$0x10] =	vst v0  }
.Ltmp0:
0x19: {  	[tilespmem:s30+$0x20] =	vst v0;
	(pc) =	sbr.rel @p0 .LBB2_2-.Ltmp0, $4  }
0x1a: {  	[tilespmem:s30+$0x30] =	vst v0  }
0x1b: {  	[tilespmem:s30+$0x40] =	vst v0  }
0x1c: {  	[tilespmem:s30+$0x50] =	vst v0  }
0x1d: {  	[tilespmem:s30+$0x60] =	vst v0;
	s30 =	sshra.s32 s31, $0x2;
	s31 =	sadd.s32 $0x200, s31  }
0x1e: {  	[tilespmem:s30+$0x70] =	vst v0  }
0x1f: {  	[tilespmem:s30+$0x0] =	vst v0  }
0x20: {  	[tilespmem:s30+$0x10] =	vst v0  }
0x21: {  	[tilespmem:s30+$0x20] =	vst v0  }
0x22: {  	[tilespmem:s30+$0x30] =	vst v0  }
0x23: {  	[tilespmem:s30+$0x40] =	vst v0  }
0x24: {  	[tilespmem:s30+$0x50] =	vst v0  }
0x25: {  	[tilespmem:s30+$0x60] =	vst v0;
	s1 =	simm.s32 $0x0  }
0x26: {  	[spmem:s5] =	stream.linear.scatter [tilespmem:s1], [sflag:$0x5], $0x4000, $0x38;
	[tilespmem:$0x1E900] =	vst v63  }
0x27: {  	_ =	swait.ge [sflag:s17], $0x4000  }
0x28: {  	[sflag:s17] =	ssyncset.done $0x0  }
0x29: {  	[sflag:s17] =	ssyncadd.s32 $0xFFFFC000  }
0x2a: {  	[spmem:s6] =	stream.linear.scatter [tilespmem:s1], [sflag:$0x5], $0x4000, $0x38;
	[tilespmem:$0x1E900] =	vst v63  }
0x2b: {  	_ =	swait.ge [sflag:s17], $0x4000  }
0x2c: {  	[sflag:s17] =	ssyncset.done $0x0  }
0x2d: {  	[sflag:s17] =	ssyncadd.s32 $0xFFFFC000  }
0x2e: {  	[spmem:s7] =	stream.linear.scatter [tilespmem:s1], [sflag:$0x5], $0x4000, $0x38;
	[tilespmem:$0x1E900] =	vst v63  }
0x2f: {  	_ =	swait.ge [sflag:s17], $0x4000  }
0x30: {  	[sflag:s17] =	ssyncset.done $0x0  }
0x31: {  	[sflag:s17] =	ssyncadd.s32 $0xFFFFC000  }
0x32: {  	[spmem:s8] =	stream.linear.scatter [tilespmem:s1], [sflag:$0x5], $0x4000, $0x38;
	[tilespmem:$0x1E900] =	vst v63  }
0x33: {  	_ =	swait.ge [sflag:s17], $0x4000  }
0x34: {  	[sflag:s17] =	ssyncset.done $0x0  }
0x35: {  	[sflag:s17] =	ssyncadd.s32 $0xFFFFC000  }
0x36: {  	[spmem:s9] =	stream.linear.scatter [tilespmem:s1], [sflag:$0x5], $0x4000, $0x38;
	[tilespmem:$0x1E900] =	vst v63  }
0x37: {  	_ =	swait.ge [sflag:s17], $0x4000  }
0x38: {  	[sflag:s17] =	ssyncset.done $0x0  }
0x39: {  	[sflag:s17] =	ssyncadd.s32 $0xFFFFC000  }
0x3a: {  	[bflag:$0x0] =	sbarrier.arrive $0xFFFF  }
0x3b: {  	[tilespmem:s18], [sflag:$0x5] =	stream.linear.gather [hbm4b:s10+s1], $0x2800, $0x38;
	[tilespmem:$0x1E900] =	vst v63  }
0x3c: {  	_ =	swait.ge [sflag:s17], $0x2800  }
0x3d: {  	[sflag:s17] =	ssyncset.done $0x0  }
0x3e: {  	[sflag:s17] =	ssyncadd.s32 $0xFFFFD800  }
0x3f: {  	[tilespmem:s19], [sflag:$0x3] =	stream.linear.gather [hbm4b:s11+s1], $0x80, $0x38;
	[tilespmem:$0x1E900] =	vst v63  }
0x40: {  	_ = 	snop  }
0x41: {  	[tilespmem:s20], [sflag:$0x4] =	stream.linear.gather [hbm4b:s12+s1], $0x80, $0x38;
	[tilespmem:$0x1E900] =	vst v63  }
0x42: {  	_ = 	snop  }
0x43: {  	[tilespmem:s1], [sflag:$0x1] =	stream.indirect.gather [hbm4b:s4+s21], $0x80, s18, s21, $0xb8;
	[tilespmem:$0x1E900] =	vst v63  }
0x44: {  	s0 =	simm.s32 $0x8080  }
0x45: {  	[tilespmem:s22], [sflag:$0x2] =	stream.indirect.gather [hbm4b:s4+s21], $0x80, s0, s21, $0xb8;
	[tilespmem:$0x1E900] =	vst v63  }
0x46: {  	_ =	swait.ge [sflag:s23], $0x80  }
0x47: {  	[sflag:s23] =	ssyncset.done $0x0  }
0x48: {  	[sflag:s23] =	ssyncadd.s32 $0xFFFFFF80  }
0x49: {  	_ =	swait.ge [sflag:s24], $0x4000  }
0x4a: {  	[sflag:s24] =	ssyncset.done $0x0  }
0x4b: {  	[sflag:s24] =	ssyncadd.s32 $0xFFFFC000  }
0x4c: {  	[spmem:s2] =	stream.indirect.scatter.add.f32 [tilespmem:s3], [sflag:$0x5], $0x80, s19, s21, $0xb8;
	[tilespmem:$0x1E900] =	vst v63  }
0x4d: {  	_ =	swait.ge [sflag:s17], $0x4000  }
0x4e: {  	[sflag:s17] =	ssyncset.done $0x0  }
0x4f: {  	s0 =	sadd.s32 $0x0, s16;
	[sflag:s17] =	ssyncadd.s32 $0xFFFFC000  }
0x50: {  	[tilespmem:s19], [sflag:$0x3] =	stream.linear.gather [hbm4b:s0+s3], $0x80, $0x38;
	[tilespmem:$0x1E900] =	vst v63  }
0x51: {  	s0 =	simm.s32 $0x8100  }
0x52: {  	[tilespmem:s3], [sflag:$0x1] =	stream.indirect.gather [hbm4b:s4+s21], $0x80, s0, s21, $0xb8;
	[tilespmem:$0x1E900] =	vst v63  }
0x53: {  	_ =	swait.ge [sflag:s25], $0x80  }
0x54: {  	[sflag:s25] =	ssyncset.done $0x0  }
0x55: {  	[sflag:s25] =	ssyncadd.s32 $0xFFFFFF80  }
0x56: {  	_ =	swait.ge [sflag:s26], $0x4000  }
0x57: {  	[sflag:s26] =	ssyncset.done $0x0  }
0x58: {  	[sflag:s26] =	ssyncadd.s32 $0xFFFFC000  }
0x59: {  	[spmem:s2] =	stream.indirect.scatter.add.f32 [tilespmem:s22], [sflag:$0x5], $0x80, s20, s21, $0xb8;
	[tilespmem:$0x1E900] =	vst v63  }
0x5a: {  	_ =	swait.ge [sflag:s17], $0x4000  }
0x5b: {  	s30 =	simm.s32 $0x20;
	[sflag:s17] =	ssyncset.done $0x0  }
0x5c: {  	s31 =	simm.s32 $0x8180;
	s1 =	sadd.s32 $0x0, s15;
	[sflag:s17] =	ssyncadd.s32 $0xFFFFC000  }
.LBB2_4:
0x5d: {  	[tilespmem:s20], [sflag:$0x4] =	stream.linear.gather [hbm4b:s1+s3], $0x80, $0x38;
	[tilespmem:$0x1E900] =	vst v63  }
0x5e: {  	p0 =	sne.s32 s30, $0x4C0;
	s1 =	smov.u32 s30;
	s30 =	sadd.s32 $0x20, s30  }
0x5f: {  	[tilespmem:s22], [sflag:$0x2] =	stream.indirect.gather [hbm4b:s4+s21], $0x80, s31, s21, $0xb8;
	[tilespmem:$0x1E900] =	vst v63  }
0x60: {  	_ =	swait.ge [sflag:s23], $0x80  }
0x61: {  	[sflag:s23] =	ssyncset.done $0x0  }
0x62: {  	[sflag:s23] =	ssyncadd.s32 $0xFFFFFF80  }
0x63: {  	_ =	swait.ge [sflag:s24], $0x4000  }
0x64: {  	[sflag:s24] =	ssyncset.done $0x0  }
0x65: {  	[sflag:s24] =	ssyncadd.s32 $0xFFFFC000  }
0x66: {  	[spmem:s2] =	stream.indirect.scatter.add.f32 [tilespmem:s3], [sflag:$0x5], $0x80, s19, s21, $0xb8;
	[tilespmem:$0x1E900] =	vst v63  }
0x67: {  	_ =	swait.ge [sflag:s17], $0x4000  }
0x68: {  	[sflag:s17] =	ssyncset.done $0x0  }
0x69: {  	s0 =	sadd.s32 s1, s16;
	[sflag:s17] =	ssyncadd.s32 $0xFFFFC000  }
0x6a: {  	[tilespmem:s19], [sflag:$0x3] =	stream.linear.gather [hbm4b:s0+s3], $0x80, $0x38;
	[tilespmem:$0x1E900] =	vst v63  }
0x6b: {  	s0 =	sadd.s32 $0x80, s31  }
0x6c: {  	[tilespmem:s3], [sflag:$0x1] =	stream.indirect.gather [hbm4b:s4+s21], $0x80, s0, s21, $0xb8;
	[tilespmem:$0x1E900] =	vst v63  }
0x6d: {  	_ =	swait.ge [sflag:s25], $0x80  }
0x6e: {  	[sflag:s25] =	ssyncset.done $0x0  }
0x6f: {  	[sflag:s25] =	ssyncadd.s32 $0xFFFFFF80  }
0x70: {  	_ =	swait.ge [sflag:s26], $0x4000  }
0x71: {  	[sflag:s26] =	ssyncset.done $0x0  }
.Ltmp1:
0x72: {  	[sflag:s26] =	ssyncadd.s32 $0xFFFFC000;
	(pc) =	sbr.rel @p0 .LBB2_4-.Ltmp1, $4  }
0x73: {  	[spmem:s2] =	stream.indirect.scatter.add.f32 [tilespmem:s22], [sflag:$0x5], $0x80, s20, s21, $0xb8;
	[tilespmem:$0x1E900] =	vst v63  }
0x74: {  	_ =	swait.ge [sflag:s17], $0x4000  }
0x75: {  	[sflag:s17] =	ssyncset.done $0x0  }
0x76: {  	s1 =	sadd.s32 s1, s15;
	s31 =	sadd.s32 $0x100, s31;
	[sflag:s17] =	ssyncadd.s32 $0xFFFFC000  }
0x77: {  	[tilespmem:s20], [sflag:$0x4] =	stream.linear.gather [hbm4b:s1+s3], $0x80, $0x38;
	[tilespmem:$0x1E900] =	vst v63  }
0x78: {  	_ = 	snop  }
0x79: {  	[tilespmem:s22], [sflag:$0x2] =	stream.indirect.gather [hbm4b:s4+s21], $0x80, s28, s21, $0xb8;
	[tilespmem:$0x1E900] =	vst v63  }
0x7a: {  	_ =	swait.ge [sflag:s23], $0x80  }
0x7b: {  	[sflag:s23] =	ssyncset.done $0x0  }
0x7c: {  	[sflag:s23] =	ssyncadd.s32 $0xFFFFFF80  }
0x7d: {  	_ =	swait.ge [sflag:s24], $0x4000  }
0x7e: {  	[sflag:s24] =	ssyncset.done $0x0  }
0x7f: {  	[sflag:s24] =	ssyncadd.s32 $0xFFFFC000  }
0x80: {  	[spmem:s2] =	stream.indirect.scatter.add.f32 [tilespmem:s3], [sflag:$0x5], $0x80, s19, s21, $0xb8;
	[tilespmem:$0x1E900] =	vst v63  }
0x81: {  	_ =	swait.ge [sflag:s17], $0x4000  }
0x82: {  	[sflag:s17] =	ssyncset.done $0x0  }
0x83: {  	[sflag:s17] =	ssyncadd.s32 $0xFFFFC000  }
0x84: {  	_ =	swait.ge [sflag:s25], $0x80  }
0x85: {  	[sflag:s25] =	ssyncset.done $0x0  }
0x86: {  	[sflag:s25] =	ssyncadd.s32 $0xFFFFFF80  }
0x87: {  	_ =	swait.ge [sflag:s26], $0x4000  }
0x88: {  	[sflag:s26] =	ssyncset.done $0x0  }
0x89: {  	[sflag:s26] =	ssyncadd.s32 $0xFFFFC000  }
0x8a: {  	[spmem:s2] =	stream.indirect.scatter.add.f32 [tilespmem:s22], [sflag:$0x5], $0x80, s20, s21, $0xb8;
	[tilespmem:$0x1E900] =	vst v63  }
0x8b: {  	s0 =	stileid.u32;
	_ =	swait.ge [sflag:s17], $0x4000  }
0x8c: {  	s31 =	sshrl.u32 s5, $0x3;
	s29 =	sadd.s32 $0x1, s29;
	[sflag:s17] =	ssyncset.done $0x0  }
0x8d: {  	s0 =	sshll.u32 s0, $0x6;
	p0 =	sne.s32 s29, s14;
	[sflag:s17] =	ssyncadd.s32 $0xFFFFC000  }
.Ltmp2:
0x8e: {  	s0 =	sor.u32 $0x1C05, s0;
	[bflag:$0x0] =	sbarrier.arrive $0xFFFF;
	(pc) =	sbr.rel @p0 .LBB2_1-.Ltmp2, $4  }
0x8f: {  	[hbm:s13], [sflag:s0] =	dma.local [spmem:s31], $0x2800  }
0x90: {  	_ =	swait.ge [sflag:s17], $0x2800  }
0x91: {  	[sflag:s17] =	ssyncset.done $0x0  }
0x92: {  	[sflag:s17] =	ssyncadd.s32 $0xFFFFD800  }
0x93: {  	_ =	sfence.sel $0x180000  }
0x94: {  	[bflag:$0x0] =	sbarrier.arrive $0xFFFF  }
0x95: {  	_ =	strace $0x9000004A  }
0x96: {  	s0 =	stileid.u32;
	[bflag:$0x2] =	sbarrier.arrive $0xFFFF  }
0x97: {  	p0 =	sne.s32 s0, $0x0;
	s0 =	rddreg [dreg:$0x2]  }
0x98: {  	s0 =	sadd.s32 @!p0 $0x100000, s0  }
0x99: {  	[sflag:s0] =	ssyncadd.tile.s32 @!p0 $0x1;
	_ =	shalt  }
.Lfunc_end2:
_tile_overlayer_lowered:
.L_overlay_start_2:
0x9a: {  	(tag) =	ssettag $0x2  }
0x9b: {  	s0 =	rddreg [dreg:$0x0];
	s2 =	stileid.u32  }
0x9c: {  	s1 =	rddreg [dreg:$0x1];
	p0 =	sne.s32 s2, $0x0  }
0x9d: {  	s3 =	rddreg [dreg:$0x2];
	[bflag:$0x3] =	sbarrier.arrive $0xFFFF;
	s2 =	simm.s32 @!p0 $0x1C05  }
0x9e: {  	[timem:s3], [sflag:s2] =	dma.local @!p0 [hbm:s0], s1  }
0x9f: {  	s0 =	simm.s32 @!p0 $0x5  }
0xa0: {  	_ =	swait.ge @!p0 [sflag:s0], s1  }
0xa1: {  	s1 =	ssub.s32 @!p0 $0x0, s1;
	[sflag:s0] =	ssyncset.done @!p0 $0x0  }
0xa2: {  	[sflag:s0] =	ssyncadd.s32 @!p0 s1  }
0xa3: {  	[bflag:$0x3] =	sbarrier.arrive $0xFFFF  }
0xa4: {  	_ =	shalt  }

// kernel: kernel.14.cloned.1.call-start
scs
__scs_entry_jumppad:
0x0: {  	(pc) =	sbr.rel $0x88, $3  }
0x1: {  	(tag) =	ssettag $0x0;
	lr =	simm.s32 $0x1  }
0x2: {  	[smem:$0x3F9B] =	sst lr;
	_ =	strace $0xD0000000  }
0x3: {  	_ = 	snop  }
0x4: {  	_ = 	snop  }
0x5: {  	_ = 	snop  }
0x6: {  	_ = 	snop  }
0x7: {  	_ = 	snop  }
__scs_overlays_trampoline_lowered:
0x8: {  	[smem:$0x3FAA] =	sst s0  }
0x9: {  	[smem:$0x3FAB] =	sst s1  }
0xa: {  	[smem:$0x3FAC] =	sst s2  }
0xb: {  	[smem:$0x3FAD] =	sst s3  }
0xc: {  	[smem:$0x3FAE] =	sst s4  }
0xd: {  	[smem:$0x3FAF] =	sst s5  }
0xe: {  	[smem:$0x3FB0] =	sst s6  }
0xf: {  	[smem:$0x3FB1] =	sst s7  }
0x10: {  	[smem:$0x3FB2] =	sst s8  }
0x11: {  	[smem:$0x3FB3] =	sst s9;
	s0 =	simm.s32 @!p0 $0x0  }
0x12: {  	s1 =	sld [smem:$0x3F99];
	s0 =	simm.s32 @p0 $0x1  }
0x13: {  	[smem:$0x3FB4] =	sst s0;
	s0 =	simm.s32 @!p1 $0x0  }
0x14: {  	s2 =	sld [smem:$0x3F98];
	s0 =	simm.s32 @p1 $0x1  }
0x15: {  	[smem:$0x3FB5] =	sst s0;
	s0 =	simm.s32 @!p2 $0x0  }
0x16: {  	s3 =	sld [smem:$0x3FDB];
	s0 =	simm.s32 @p2 $0x1  }
0x17: {  	s4 =	simm.s32 $0x1BF5;
	[smem:$0x3FB7] =	sst s0  }
0x18: {  	s0 =	sld [smem:$0x3F9A];
	_ =	swait.ge [sflag:s4], $0x0  }
0x19: {  	s7 =	sld [smem:$0x3F9B]  }
0x1a: {  	s8 =	sadd.s32 $0xFFFFE003, lr  }
0x1b: {  	s9 =	sadd.s32 $0xFFFFFEF7, lr;
	s5 =	simm.s32 $0xFFFFFFFF;
	p2 =	slt.u32 s8, $0xFFFFF086  }
0x1c: {  	p1 =	slt.u32 s9, $0xF7A;
	s5 =	simm.s32 @!p2 $0x0  }
0x1d: {  	s5 =	simm.s32 @p1 $0x1;
	p0 =	seq.s32 s7, s2  }
0x1e: {  	s7 =	smul.u32 @!p0 $0xF7A, s2;
	p2 =	seq.s32 @!p0 s5, $0x0  }
0x1f: {  	s9 =	smul.u32 $0xF7A, s1;
	s8 =	simm.s32 @!p0 $0x1BF5;
	p2 =	por !p2, p0  }
0x20: {  	[sflag:s8] =	ssyncset.s32 @!p0 $0xFFFFF086;
	s6 =	sadd.s32 @!p0 s3, s7;
	s7 =	simm.s32 @!p0 $0x108  }
0x21: {  	s3 =	sadd.s32 s3, s9;
	s6 =	sadd.s32 @!p0 $0x88, s6;
	s7 =	simm.s32 @p2 $0x1082  }
0x22: {  	[simem:s7], [sflag:s8] =	dma.local @!p0 [hbm:s6], $0xF7A  }
0x23: {  	s9 =	sor.u32 $0xD0000000, s2;
	s6 =	simm.s32 $0x108;
	_ =	swait.ge @!p0 [sflag:s8], $0x0  }
0x24: {  	s3 =	sadd.s32 $0x88, s3;
	s6 =	simm.s32 @!p1 $0x1082;
	[sflag:s4] =	ssyncset.s32 $0xFFFFF086  }
0x25: {  	[simem:s6], [sflag:s4] =	dma.local [hbm:s3], $0xF7A  }
0x26: {  	[smem:$0x3F9B] =	sst s1;
	(tag) =	ssettag s2;
	_ =	strace s9  }
0x27: {  	s1 =	sld [smem:$0x3FAB]  }
0x28: {  	s2 =	sld [smem:$0x3FAC]  }
0x29: {  	s4 =	sld [smem:$0x3FAE]  }
0x2a: {  	p0 =	seq.s32 s5, $0x0;
	s5 =	sld [smem:$0x3FAF]  }
0x2b: {  	s6 =	sld [smem:$0x3FB0]  }
0x2c: {  	s7 =	sld [smem:$0x3FB1]  }
0x2d: {  	s3 =	simm.s32 $0x108;
	s8 =	sld [smem:$0x3FB2]  }
0x2e: {  	s3 =	simm.s32 @!p0 $0x1082;
	s9 =	sld [smem:$0x3FB3]  }
0x2f: {  	lr =	sadd.s32 s0, s3;
	s0 =	sld [smem:$0x3FAA]  }
0x30: {  	s3 =	sld [smem:$0x3FAD]  }
0x31: {  	[smem:$0x3FB6] =	sst s10  }
0x32: {  	s10 =	sld [smem:$0x3FB4];
	_ =	sdelay $0x3  }
0x33: {  	p0 =	seq.s32 s10, $0x1;
	s10 =	sld [smem:$0x3FB6];
	_ =	sdelay $0x3  }
0x34: {  	[smem:$0x3FB6] =	sst s10  }
0x35: {  	s10 =	sld [smem:$0x3FB5];
	_ =	sdelay $0x3  }
0x36: {  	p1 =	seq.s32 s10, $0x1;
	s10 =	sld [smem:$0x3FB6];
	_ =	sdelay $0x3  }
0x37: {  	[smem:$0x3FB6] =	sst s10  }
0x38: {  	s10 =	sld [smem:$0x3FB7]  }
0x39: {  	_ = 	snop;
	(pc) =	sbr.ind lr, $3  }
0x3a: {  	_ = 	snop  }
0x3b: {  	_ = 	snop  }
0x3c: {  	p2 =	seq.s32 s10, $0x1;
	s10 =	sld [smem:$0x3FB6]  }
0x3d: {  	_ =	shalt  }
0x3e: {  	_ =	shalt  }
0x3f: {  	_ =	shalt  }
0x40: {  	_ =	shalt  }
0x41: {  	_ =	shalt  }
0x42: {  	_ =	shalt  }
0x43: {  	_ =	shalt  }
0x44: {  	_ =	shalt  }
0x45: {  	_ =	shalt  }
0x46: {  	_ =	shalt  }
0x47: {  	_ =	shalt  }
0x48: {  	_ =	shalt  }
0x49: {  	_ =	shalt  }
0x4a: {  	_ =	shalt  }
0x4b: {  	_ =	shalt  }
0x4c: {  	_ =	shalt  }
0x4d: {  	_ =	shalt  }
0x4e: {  	_ =	shalt  }
0x4f: {  	_ =	shalt  }
0x50: {  	_ =	shalt  }
0x51: {  	_ =	shalt  }
0x52: {  	_ =	shalt  }
0x53: {  	_ =	shalt  }
0x54: {  	_ =	shalt  }
0x55: {  	_ =	shalt  }
0x56: {  	_ =	shalt  }
0x57: {  	_ =	shalt  }
0x58: {  	_ =	shalt  }
0x59: {  	_ =	shalt  }
0x5a: {  	_ =	shalt  }
0x5b: {  	_ =	shalt  }
0x5c: {  	_ =	shalt  }
0x5d: {  	_ =	shalt  }
0x5e: {  	_ =	shalt  }
0x5f: {  	_ =	shalt  }
0x60: {  	_ =	shalt  }
0x61: {  	_ =	shalt  }
0x62: {  	_ =	shalt  }
0x63: {  	_ =	shalt  }
0x64: {  	_ =	shalt  }
0x65: {  	_ =	shalt  }
0x66: {  	_ =	shalt  }
0x67: {  	_ =	shalt  }
0x68: {  	_ =	shalt  }
0x69: {  	_ =	shalt  }
0x6a: {  	_ =	shalt  }
0x6b: {  	_ =	shalt  }
0x6c: {  	_ =	shalt  }
0x6d: {  	_ =	shalt  }
0x6e: {  	_ =	shalt  }
0x6f: {  	_ =	shalt  }
0x70: {  	_ =	shalt  }
0x71: {  	_ =	shalt  }
0x72: {  	_ =	shalt  }
0x73: {  	_ =	shalt  }
0x74: {  	_ =	shalt  }
0x75: {  	_ =	shalt  }
0x76: {  	_ =	shalt  }
0x77: {  	_ =	shalt  }
0x78: {  	_ =	shalt  }
0x79: {  	_ =	shalt  }
0x7a: {  	_ =	shalt  }
0x7b: {  	_ =	shalt  }
0x7c: {  	_ =	shalt  }
0x7d: {  	_ =	shalt  }
0x7e: {  	_ =	shalt  }
0x7f: {  	_ =	shalt  }
0x80: {  	_ =	shalt  }
0x81: {  	_ =	shalt  }
0x82: {  	_ =	shalt  }
0x83: {  	_ =	shalt  }
0x84: {  	_ =	shalt  }
0x85: {  	_ =	shalt  }
0x86: {  	_ =	shalt  }
0x87: {  	_ =	shalt  }
.Lfunc_end0:
.L_simem_size_0:
called_computation.2_lowered:
.L_overlay_start_0:
0x88: {  	s2 =	sld [smem:$0x3FD9]  }
0x89: {  	s3 =	sld [smem:$0x3FFE];
	_ =	sdelay $0x1  }
0x8a: {  	s1 =	srdreg.scid  }
0x8b: {  	s0 =	sand.u32 $0x1, s1  }
0x8c: {  	s16 =	sshll.u32 s0, $0xA;
	s2 =	sadd.s32 s3, s2  }
0x8d: {  	s2 =	sadd.s32 s2, s16  }
0x8e: {  	[smem:$0x3FC2] =	sst s2  }
0x8f: {  	_ = 	snop  }
0x90: {  	(tm) =	ssettm $0x1  }
0x91: {  	s17 =	sld [smem:$0x3FFB];
	_ =	sdelay $0x3  }
0x92: {  	_ =	strace s17  }
0x93: {  	s2 =	sld [smem:$0x3FFC];
	_ =	sdelay $0x3  }
0x94: {  	_ =	strace s2  }
0x95: {  	s2 =	sld [smem:$0x3FFD];
	_ =	sdelay $0x3  }
0x96: {  	_ =	strace s2  }
0x97: {  	_ =	strace $0x8FFFFFFF  }
0x98: {  	s18 =	sld [smem:$0x3FDB];
	_ =	sdelay $0x1  }
0x99: {  	s19 =	simm.s32 $_scs_section_size  }
0x9a: {  	s4 =	simm.s32 $_size__tile_overlayer_lowered;
	s5 =	simm.s32 $_tile_overlayer_lowered  }
0x9b: {  	s22 =	simm.s32 $0x1BFF;
	s21 =	sshll.u32 s5, $0x1;
	s2 =	sadd.s32 s19, s18  }
0x9c: {  	s6 =	simm.s32 $0x0;
	s20 =	sshll.u32 s4, $0x1;
	s4 =	sadd.s32 s21, s2  }
0x9d: {  	[timem:s6], [sflag:s22] =	dma.local [hbm:s4], s20  }
0x9e: {  	_ =	swait.ge [sflag:s22], s20  }
0x9f: {  	s3 =	ssub.s32 $0x0, s20;
	[sflag:s22] =	ssyncset.done $0x0  }
0xa0: {  	[sflag:s22] =	ssyncadd.s32 s3;
	_ =	sdelay $0x1  }
0xa1: {  	s23 =	simm.s32 $0x1B8B  }
0xa2: {  	_ =	swait.ge [sflag:s23], $0x1  }
0xa3: {  	[sflag:s23] =	ssyncset.done $0x0  }
0xa4: {  	s25 =	simm.s32 $0x1B8E;
	s24 =	sld [smem:$0x3FFE];
	[sflag:s23] =	ssyncadd.s32 $0xFFFFFFFF  }
0xa5: {  	s26 =	simm.s32 $execute0_lowered;
	[smem:$0x3FD2] =	sst s25  }
0xa6: {  	s4 =	sshll.u32 s26, $0x1;
	_ =	strace $0x8000004C;
	[dreg:$0x1] =	wrdreg $0xFFFFFFFF  }
0xa7: {  	s28 =	simm.s32 $_size_execute0_lowered;
	s2 =	sadd.s32 s2, s4;
	[dreg:$0x0] =	wrdreg $0x0  }
0xa8: {  	s4 =	sshll.u32 s28, $0x1;
	[dreg:$0x2] =	wrdreg s2  }
0xa9: {  	[dreg:$0x3] =	wrdreg s4  }
0xaa: {  	[dreg:$0x4] =	wrdreg $0xC0  }
0xab: {  	_ =	task [dreg:s6], $0x5FFFF  }
0xac: {  	[dreg:$0x1] =	wrdreg $0xFFFFFFFF  }
0xad: {  	[dreg:$0x0] =	wrdreg $0x60  }
0xae: {  	[dreg:$0x2] =	wrdreg s24  }
0xaf: {  	[dreg:$0x3] =	wrdreg $0x39000  }
0xb0: {  	[dreg:$0x4] =	wrdreg $0x9  }
0xb1: {  	_ =	task.clear_ibuf [dreg:s6], $0x5FFFF;
	_ =	strace $0x9000004C  }
0xb2: {  	s29 =	simm.s32 $0x9;
	_ =	strace $0x8000004E  }
0xb3: {  	_ =	swait.ge [sflag:s29], $0x1  }
0xb4: {  	[sflag:s29] =	ssyncadd.s32 $0xFFFFFFFF  }
0xb5: {  	_ =	strace $0x9000004E  }
0xb6: {  	_ =	sfence  }
0xb7: {  	s30 =	sld [smem:$0x0];
	_ =	sdelay $0x2  }
0xb8: {  	s31 =	sshll.u32 s1, $0xD;
	s1 =	sshrl.u32 s1, $0x2  }
0xb9: {  	s3 =	sand.u32 $0x4000, s31;
	s1 =	sadd.s32 s1, s30  }
0xba: {  	s0 =	sor.u32 s3, s0;
	s1 =	sshll.u32 s1, $0x11  }
0xbb: {  	s0 =	sor.u32 s1, s0  }
0xbc: {  	s0 =	sadd.s32 $0x8F2B, s0  }
0xbd: {  	[sflag:s0] =	ssyncadd.remote.s32 $0x1  }
0xbe: {  	_ =	sfence.sel $0xFFFF  }
0xbf: {  	[dreg:$0x0] =	wrdreg $0xFFFFFFFF;
	(pc) =	sbr.abs _section_cstart, $3  }
0xc0: {  	[dreg:$0x1] =	wrdreg $0xFFFFFFFF  }
0xc1: {  	_ =	task.clear_ibuf [dreg:s6], $0x2FFFF;
	_ =	strace $0x9FFFFFFF  }
0xc2: {  	(tm) =	ssettm $0x7FFFFFFF  }
0xc3: {  	_ =	shalt  }
tec
execute0_lowered:
.L_overlay_start_1:
0x0: {  	(tag) =	ssettag $0x1  }
0x1: {  	s1 =	srdreg.scid  }
0x2: {  	s0 =	stileid.u32;
	s5 =	rddreg [dreg:$0x0]  }
0x3: {  	s17 =	simm.s32 $0x5;
	s18 =	simm.s32 $0x1000;
	s19 =	simm.s32 $0x3800  }
0x4: {  	s20 =	simm.s32 $0x3880;
	s21 =	simm.s32 $0x80;
	s22 =	simm.s32 $0x800  }
0x5: {  	s23 =	simm.s32 $0x3;
	s28 =	simm.s32 $0x3780;
	s7 =	smul.u32 $0x2800, s0  }
0x6: {  	s29 =	simm.s32 $0x0;
	s1 =	sand.u32 $0x1, s1;
	s25 =	smul.u32 $0xA000, s0  }
0x7: {  	s2 =	sshll.u32 s0, $0x1;
	s4 =	sadd.s32 $0x65E00, s5;
	s12 =	smul.u32 $0x5000, s0  }
0x8: {  	s16 =	sadd.s32 $0x1E00, s5;
	s3 =	sor.u32 s1, s2;
	s8 =	smul.u32 $0x28000, s1  }
0x9: {  	s2 =	rddreg [dreg:$0x1];
	s9 =	ssub.s32 $0x2, s1;
	s1 =	smul.u32 $0x2800, s1  }
0xa: {  	s6 =	smul.u32 $0x2800, s3;
	s3 =	simm.s32 $0x0;
	s26 =	sshrl.u32 s9, $0x1  }
0xb: {  	s30 =	sshrl.u32 s25, $0x2;
	s25 =	simm.s32 $0x4;
	[smem:$0x7FF] =	sst s3  }
0xc: {  	s24 =	sadd.s32 s7, s8;
	s14 =	ssub.s32 s9, s26;
	s31 =	sadd.s32 s30, s2  }
0xd: {  	s1 =	sadd.s32 s1, s12;
	s26 =	simm.s32 $0x2;
	_ =	strace $0x8000004D  }
0xe: {  	s11 =	sshrl.u32 s6, $0x3;
	s6 =	sshrl.u32 s24, $0x3;
	s8 =	sadd.s32 $0x1800, s31  }
0xf: {  	s9 =	sadd.s32 $0x2000, s31;
	s15 =	sor.u32 $0x180, s1;
	s1 =	sor.u32 $0x100, s1  }
0x10: {  	s14 =	smax.u32 s14, $0x1;
	s24 =	simm.s32 $0x1;
	s10 =	sadd.s32 s11, s5  }
0x11: {  	s13 =	sadd.s32 s6, s5;
	s5 =	sadd.s32 s7, s2;
	s6 =	sadd.s32 $0x800, s31  }
0x12: {  	s7 =	sadd.s32 $0x1000, s31;
	s11 =	sadd.s32 s16, s11;
	s15 =	sshrl.u32 s15, $0x3  }
0x13: {  	s1 =	sshrl.u32 s1, $0x3;
	s10 =	sadd.s32 $0xBE00, s10;
	s12 =	sadd.s32 $0x10, s11  }
0x14: {  	v0 =	vimm.f32 $0.0e+00;
	s13 =	sadd.s32 $0x6AE00, s13;
	s15 =	sadd.s32 s15, s16;
	s16 =	sadd.s32 s1, s16  }
.LBB2_1:
0x15: {  	s30 =	simm.s32 $0x40;
	s1 =	simm.s32 $0x0  }
.LBB2_2:
0x16: {  	p0 =	sne.s32 s30, $0x1FC0;
	[tilespmem:s1+$0x0] =	vst v0;
	s1 =	smov.u32 s30;
	s30 =	sadd.s32 $0x40, s30  }
.Ltmp0:
0x17: {  	(pc) =	sbr.rel @p0 .LBB2_2-.Ltmp0, $2  }
0x18: {  	_ =	sdelay $0x2  }
0x19: {  	s1 =	sshra.s32 s1, $0x2  }
0x1a: {  	[tilespmem:s1+$0x0] =	vst v0;
	s0 =	simm.s32 $0x0  }
0x1b: {  	[spmem:s5] =	stream.linear.scatter [tilespmem:s0], [sflag:$0x5], $0x800, $0x38;
	[tilespmem:$0x6100] =	vst v63  }
0x1c: {  	_ =	swait.ge [sflag:s17], $0x800  }
0x1d: {  	[sflag:s17] =	ssyncset.done $0x0  }
0x1e: {  	[sflag:s17] =	ssyncadd.s32 $0xFFFFF800  }
0x1f: {  	[spmem:s6] =	stream.linear.scatter [tilespmem:s0], [sflag:$0x5], $0x800, $0x38;
	[tilespmem:$0x6100] =	vst v63  }
0x20: {  	_ =	swait.ge [sflag:s17], $0x800  }
0x21: {  	[sflag:s17] =	ssyncset.done $0x0  }
0x22: {  	[sflag:s17] =	ssyncadd.s32 $0xFFFFF800  }
0x23: {  	[spmem:s7] =	stream.linear.scatter [tilespmem:s0], [sflag:$0x5], $0x800, $0x38;
	[tilespmem:$0x6100] =	vst v63  }
0x24: {  	_ =	swait.ge [sflag:s17], $0x800  }
0x25: {  	[sflag:s17] =	ssyncset.done $0x0  }
0x26: {  	[sflag:s17] =	ssyncadd.s32 $0xFFFFF800  }
0x27: {  	[spmem:s8] =	stream.linear.scatter [tilespmem:s0], [sflag:$0x5], $0x800, $0x38;
	[tilespmem:$0x6100] =	vst v63  }
0x28: {  	_ =	swait.ge [sflag:s17], $0x800  }
0x29: {  	[sflag:s17] =	ssyncset.done $0x0  }
0x2a: {  	[sflag:s17] =	ssyncadd.s32 $0xFFFFF800  }
0x2b: {  	[spmem:s9] =	stream.linear.scatter [tilespmem:s0], [sflag:$0x5], $0x800, $0x38;
	[tilespmem:$0x6100] =	vst v63  }
0x2c: {  	_ =	swait.ge [sflag:s17], $0x800  }
0x2d: {  	[sflag:s17] =	ssyncset.done $0x0  }
0x2e: {  	[sflag:s17] =	ssyncadd.s32 $0xFFFFF800  }
0x2f: {  	[bflag:$0x0] =	sbarrier.arrive $0xFFFF  }
0x30: {  	[tilespmem:s18], [sflag:$0x5] =	stream.linear.gather [hbm4b:s10+s0], $0x2800, $0x38;
	[tilespmem:$0x6100] =	vst v63  }
0x31: {  	_ =	swait.ge [sflag:s17], $0x2800  }
0x32: {  	[sflag:s17] =	ssyncset.done $0x0  }
0x33: {  	[sflag:s17] =	ssyncadd.s32 $0xFFFFD800  }
0x34: {  	[tilespmem:s19], [sflag:$0x3] =	stream.linear.gather [hbm4b:s11+s0], $0x80, $0x38;
	[tilespmem:$0x6100] =	vst v63  }
0x35: {  	_ = 	snop  }
0x36: {  	[tilespmem:s20], [sflag:$0x4] =	stream.linear.gather [hbm4b:s12+s0], $0x80, $0x38;
	[tilespmem:$0x6100] =	vst v63  }
0x37: {  	_ = 	snop  }
0x38: {  	[tilespmem:s0], [sflag:$0x1] =	stream.indirect.gather [hbm4b:s4+s21], $0x10, s18, s21, $0xb8;
	[tilespmem:$0x6100] =	vst v63  }
0x39: {  	s0 =	simm.s32 $0x1080  }
0x3a: {  	[tilespmem:s22], [sflag:$0x2] =	stream.indirect.gather [hbm4b:s4+s21], $0x10, s0, s21, $0xb8;
	[tilespmem:$0x6100] =	vst v63  }
0x3b: {  	_ =	swait.ge [sflag:s23], $0x80  }
0x3c: {  	[sflag:s23] =	ssyncset.done $0x0  }
0x3d: {  	[sflag:s23] =	ssyncadd.s32 $0xFFFFFF80  }
0x3e: {  	_ =	swait.ge [sflag:s24], $0x800  }
0x3f: {  	[sflag:s24] =	ssyncset.done $0x0  }
0x40: {  	[sflag:s24] =	ssyncadd.s32 $0xFFFFF800  }
0x41: {  	[spmem:s2] =	stream.indirect.scatter.add.f32 [tilespmem:s3], [sflag:$0x5], $0x10, s19, s21, $0xb8;
	[tilespmem:$0x6100] =	vst v63  }
0x42: {  	_ =	swait.ge [sflag:s17], $0x800  }
0x43: {  	[sflag:s17] =	ssyncset.done $0x0  }
0x44: {  	s0 =	sadd.s32 $0x0, s16;
	[sflag:s17] =	ssyncadd.s32 $0xFFFFF800  }
0x45: {  	[tilespmem:s19], [sflag:$0x3] =	stream.linear.gather [hbm4b:s0+s3], $0x80, $0x38;
	[tilespmem:$0x6100] =	vst v63  }
0x46: {  	s0 =	simm.s32 $0x1100  }
0x47: {  	[tilespmem:s3], [sflag:$0x1] =	stream.indirect.gather [hbm4b:s4+s21], $0x10, s0, s21, $0xb8;
	[tilespmem:$0x6100] =	vst v63  }
0x48: {  	_ =	swait.ge [sflag:s25], $0x80  }
0x49: {  	[sflag:s25] =	ssyncset.done $0x0  }
0x4a: {  	[sflag:s25] =	ssyncadd.s32 $0xFFFFFF80  }
0x4b: {  	_ =	swait.ge [sflag:s26], $0x800  }
0x4c: {  	[sflag:s26] =	ssyncset.done $0x0  }
0x4d: {  	[sflag:s26] =	ssyncadd.s32 $0xFFFFF800  }
0x4e: {  	[spmem:s2] =	stream.indirect.scatter.add.f32 [tilespmem:s22], [sflag:$0x5], $0x10, s20, s21, $0xb8;
	[tilespmem:$0x6100] =	vst v63  }
0x4f: {  	_ =	swait.ge [sflag:s17], $0x800  }
0x50: {  	s30 =	simm.s32 $0x20;
	[sflag:s17] =	ssyncset.done $0x0  }
0x51: {  	s1 =	sadd.s32 $0x0, s15;
	s31 =	simm.s32 $0x1180;
	[sflag:s17] =	ssyncadd.s32 $0xFFFFF800  }
.LBB2_4:
0x52: {  	[tilespmem:s20], [sflag:$0x4] =	stream.linear.gather [hbm4b:s1+s3], $0x80, $0x38;
	[tilespmem:$0x6100] =	vst v63  }
0x53: {  	p0 =	sne.s32 s30, $0x4C0;
	s1 =	smov.u32 s30;
	s30 =	sadd.s32 $0x20, s30  }
0x54: {  	[tilespmem:s22], [sflag:$0x2] =	stream.indirect.gather [hbm4b:s4+s21], $0x10, s31, s21, $0xb8;
	[tilespmem:$0x6100] =	vst v63  }
0x55: {  	_ =	swait.ge [sflag:s23], $0x80  }
0x56: {  	[sflag:s23] =	ssyncset.done $0x0  }
0x57: {  	[sflag:s23] =	ssyncadd.s32 $0xFFFFFF80  }
0x58: {  	_ =	swait.ge [sflag:s24], $0x800  }
0x59: {  	[sflag:s24] =	ssyncset.done $0x0  }
0x5a: {  	[sflag:s24] =	ssyncadd.s32 $0xFFFFF800  }
0x5b: {  	[spmem:s2] =	stream.indirect.scatter.add.f32 [tilespmem:s3], [sflag:$0x5], $0x10, s19, s21, $0xb8;
	[tilespmem:$0x6100] =	vst v63  }
0x5c: {  	_ =	swait.ge [sflag:s17], $0x800  }
0x5d: {  	[sflag:s17] =	ssyncset.done $0x0  }
0x5e: {  	s0 =	sadd.s32 s1, s16;
	[sflag:s17] =	ssyncadd.s32 $0xFFFFF800  }
0x5f: {  	[tilespmem:s19], [sflag:$0x3] =	stream.linear.gather [hbm4b:s0+s3], $0x80, $0x38;
	[tilespmem:$0x6100] =	vst v63  }
0x60: {  	s0 =	sadd.s32 $0x80, s31  }
0x61: {  	[tilespmem:s3], [sflag:$0x1] =	stream.indirect.gather [hbm4b:s4+s21], $0x10, s0, s21, $0xb8;
	[tilespmem:$0x6100] =	vst v63  }
0x62: {  	_ =	swait.ge [sflag:s25], $0x80  }
0x63: {  	[sflag:s25] =	ssyncset.done $0x0  }
0x64: {  	[sflag:s25] =	ssyncadd.s32 $0xFFFFFF80  }
0x65: {  	_ =	swait.ge [sflag:s26], $0x800  }
0x66: {  	[sflag:s26] =	ssyncset.done $0x0  }
.Ltmp1:
0x67: {  	[sflag:s26] =	ssyncadd.s32 $0xFFFFF800;
	(pc) =	sbr.rel @p0 .LBB2_4-.Ltmp1, $4  }
0x68: {  	[spmem:s2] =	stream.indirect.scatter.add.f32 [tilespmem:s22], [sflag:$0x5], $0x10, s20, s21, $0xb8;
	[tilespmem:$0x6100] =	vst v63  }
0x69: {  	_ =	swait.ge [sflag:s17], $0x800  }
0x6a: {  	[sflag:s17] =	ssyncset.done $0x0  }
0x6b: {  	s1 =	sadd.s32 s1, s15;
	s31 =	sadd.s32 $0x100, s31;
	[sflag:s17] =	ssyncadd.s32 $0xFFFFF800  }
0x6c: {  	[tilespmem:s20], [sflag:$0x4] =	stream.linear.gather [hbm4b:s1+s3], $0x80, $0x38;
	[tilespmem:$0x6100] =	vst v63  }
0x6d: {  	_ = 	snop  }
0x6e: {  	[tilespmem:s22], [sflag:$0x2] =	stream.indirect.gather [hbm4b:s4+s21], $0x10, s28, s21, $0xb8;
	[tilespmem:$0x6100] =	vst v63  }
0x6f: {  	_ =	swait.ge [sflag:s23], $0x80  }
0x70: {  	[sflag:s23] =	ssyncset.done $0x0  }
0x71: {  	[sflag:s23] =	ssyncadd.s32 $0xFFFFFF80  }
0x72: {  	_ =	swait.ge [sflag:s24], $0x800  }
0x73: {  	[sflag:s24] =	ssyncset.done $0x0  }
0x74: {  	[sflag:s24] =	ssyncadd.s32 $0xFFFFF800  }
0x75: {  	[spmem:s2] =	stream.indirect.scatter.add.f32 [tilespmem:s3], [sflag:$0x5], $0x10, s19, s21, $0xb8;
	[tilespmem:$0x6100] =	vst v63  }
0x76: {  	_ =	swait.ge [sflag:s17], $0x800  }
0x77: {  	[sflag:s17] =	ssyncset.done $0x0  }
0x78: {  	[sflag:s17] =	ssyncadd.s32 $0xFFFFF800  }
0x79: {  	_ =	swait.ge [sflag:s25], $0x80  }
0x7a: {  	[sflag:s25] =	ssyncset.done $0x0  }
0x7b: {  	[sflag:s25] =	ssyncadd.s32 $0xFFFFFF80  }
0x7c: {  	_ =	swait.ge [sflag:s26], $0x800  }
0x7d: {  	[sflag:s26] =	ssyncset.done $0x0  }
0x7e: {  	[sflag:s26] =	ssyncadd.s32 $0xFFFFF800  }
0x7f: {  	[spmem:s2] =	stream.indirect.scatter.add.f32 [tilespmem:s22], [sflag:$0x5], $0x10, s20, s21, $0xb8;
	[tilespmem:$0x6100] =	vst v63  }
0x80: {  	s0 =	stileid.u32;
	_ =	swait.ge [sflag:s17], $0x800  }
0x81: {  	s31 =	sshrl.u32 s5, $0x3;
	s29 =	sadd.s32 $0x1, s29;
	[sflag:s17] =	ssyncset.done $0x0  }
0x82: {  	s0 =	sshll.u32 s0, $0x6;
	p0 =	sne.s32 s29, s14;
	[sflag:s17] =	ssyncadd.s32 $0xFFFFF800  }
.Ltmp2:
0x83: {  	s0 =	sor.u32 $0x1C05, s0;
	[bflag:$0x0] =	sbarrier.arrive $0xFFFF;
	(pc) =	sbr.rel @p0 .LBB2_1-.Ltmp2, $4  }
0x84: {  	[hbm:s13], [sflag:s0] =	dma.local [spmem:s31], $0x500  }
0x85: {  	_ =	swait.ge [sflag:s17], $0x500  }
0x86: {  	[sflag:s17] =	ssyncset.done $0x0  }
0x87: {  	[sflag:s17] =	ssyncadd.s32 $0xFFFFFB00  }
0x88: {  	_ =	sfence.sel $0x180000  }
0x89: {  	[bflag:$0x0] =	sbarrier.arrive $0xFFFF  }
0x8a: {  	_ =	strace $0x9000004D  }
0x8b: {  	s0 =	stileid.u32;
	[bflag:$0x2] =	sbarrier.arrive $0xFFFF  }
0x8c: {  	p0 =	sne.s32 s0, $0x0;
	s0 =	rddreg [dreg:$0x2]  }
0x8d: {  	s0 =	sadd.s32 @!p0 $0x100000, s0  }
0x8e: {  	[sflag:s0] =	ssyncadd.tile.s32 @!p0 $0x1;
	_ =	shalt  }
.Lfunc_end2:
_tile_overlayer_lowered:
.L_overlay_start_2:
0x8f: {  	(tag) =	ssettag $0x2  }
0x90: {  	s0 =	rddreg [dreg:$0x0];
	s2 =	stileid.u32  }
0x91: {  	s1 =	rddreg [dreg:$0x1];
	p0 =	sne.s32 s2, $0x0  }
0x92: {  	s3 =	rddreg [dreg:$0x2];
	[bflag:$0x3] =	sbarrier.arrive $0xFFFF;
	s2 =	simm.s32 @!p0 $0x1C05  }
0x93: {  	[timem:s3], [sflag:s2] =	dma.local @!p0 [hbm:s0], s1  }
0x94: {  	s0 =	simm.s32 @!p0 $0x5  }
0x95: {  	_ =	swait.ge @!p0 [sflag:s0], s1  }
0x96: {  	s1 =	ssub.s32 @!p0 $0x0, s1;
	[sflag:s0] =	ssyncset.done @!p0 $0x0  }
0x97: {  	[sflag:s0] =	ssyncadd.s32 @!p0 s1  }
0x98: {  	[bflag:$0x3] =	sbarrier.arrive $0xFFFF  }
0x99: {  	_ =	shalt  }

// kernel: kernel.8.cloned.1.call-start
scs
__scs_entry_jumppad:
0x0: {  	(pc) =	sbr.rel $0x88, $3  }
0x1: {  	(tag) =	ssettag $0x0;
	lr =	simm.s32 $0x1  }
0x2: {  	[smem:$0x3F9B] =	sst lr;
	_ =	strace $0xD0000000  }
0x3: {  	_ = 	snop  }
0x4: {  	_ = 	snop  }
0x5: {  	_ = 	snop  }
0x6: {  	_ = 	snop  }
0x7: {  	_ = 	snop  }
__scs_overlays_trampoline_lowered:
0x8: {  	[smem:$0x3FAA] =	sst s0  }
0x9: {  	[smem:$0x3FAB] =	sst s1  }
0xa: {  	[smem:$0x3FAC] =	sst s2  }
0xb: {  	[smem:$0x3FAD] =	sst s3  }
0xc: {  	[smem:$0x3FAE] =	sst s4  }
0xd: {  	[smem:$0x3FAF] =	sst s5  }
0xe: {  	[smem:$0x3FB0] =	sst s6  }
0xf: {  	[smem:$0x3FB1] =	sst s7  }
0x10: {  	[smem:$0x3FB2] =	sst s8  }
0x11: {  	[smem:$0x3FB3] =	sst s9;
	s0 =	simm.s32 @!p0 $0x0  }
0x12: {  	s1 =	sld [smem:$0x3F99];
	s0 =	simm.s32 @p0 $0x1  }
0x13: {  	[smem:$0x3FB4] =	sst s0;
	s0 =	simm.s32 @!p1 $0x0  }
0x14: {  	s2 =	sld [smem:$0x3F98];
	s0 =	simm.s32 @p1 $0x1  }
0x15: {  	[smem:$0x3FB5] =	sst s0;
	s0 =	simm.s32 @!p2 $0x0  }
0x16: {  	s3 =	sld [smem:$0x3FDB];
	s0 =	simm.s32 @p2 $0x1  }
0x17: {  	s4 =	simm.s32 $0x1BF5;
	[smem:$0x3FB7] =	sst s0  }
0x18: {  	s0 =	sld [smem:$0x3F9A];
	_ =	swait.ge [sflag:s4], $0x0  }
0x19: {  	s7 =	sld [smem:$0x3F9B]  }
0x1a: {  	s8 =	sadd.s32 $0xFFFFE003, lr  }
0x1b: {  	s9 =	sadd.s32 $0xFFFFFEF7, lr;
	s5 =	simm.s32 $0xFFFFFFFF;
	p2 =	slt.u32 s8, $0xFFFFF086  }
0x1c: {  	p1 =	slt.u32 s9, $0xF7A;
	s5 =	simm.s32 @!p2 $0x0  }
0x1d: {  	s5 =	simm.s32 @p1 $0x1;
	p0 =	seq.s32 s7, s2  }
0x1e: {  	s7 =	smul.u32 @!p0 $0xF7A, s2;
	p2 =	seq.s32 @!p0 s5, $0x0  }
0x1f: {  	s9 =	smul.u32 $0xF7A, s1;
	s8 =	simm.s32 @!p0 $0x1BF5;
	p2 =	por !p2, p0  }
0x20: {  	[sflag:s8] =	ssyncset.s32 @!p0 $0xFFFFF086;
	s6 =	sadd.s32 @!p0 s3, s7;
	s7 =	simm.s32 @!p0 $0x108  }
0x21: {  	s3 =	sadd.s32 s3, s9;
	s6 =	sadd.s32 @!p0 $0x88, s6;
	s7 =	simm.s32 @p2 $0x1082  }
0x22: {  	[simem:s7], [sflag:s8] =	dma.local @!p0 [hbm:s6], $0xF7A  }
0x23: {  	s9 =	sor.u32 $0xD0000000, s2;
	s6 =	simm.s32 $0x108;
	_ =	swait.ge @!p0 [sflag:s8], $0x0  }
0x24: {  	s3 =	sadd.s32 $0x88, s3;
	s6 =	simm.s32 @!p1 $0x1082;
	[sflag:s4] =	ssyncset.s32 $0xFFFFF086  }
0x25: {  	[simem:s6], [sflag:s4] =	dma.local [hbm:s3], $0xF7A  }
0x26: {  	[smem:$0x3F9B] =	sst s1;
	(tag) =	ssettag s2;
	_ =	strace s9  }
0x27: {  	s1 =	sld [smem:$0x3FAB]  }
0x28: {  	s2 =	sld [smem:$0x3FAC]  }
0x29: {  	s4 =	sld [smem:$0x3FAE]  }
0x2a: {  	p0 =	seq.s32 s5, $0x0;
	s5 =	sld [smem:$0x3FAF]  }
0x2b: {  	s6 =	sld [smem:$0x3FB0]  }
0x2c: {  	s7 =	sld [smem:$0x3FB1]  }
0x2d: {  	s3 =	simm.s32 $0x108;
	s8 =	sld [smem:$0x3FB2]  }
0x2e: {  	s3 =	simm.s32 @!p0 $0x1082;
	s9 =	sld [smem:$0x3FB3]  }
0x2f: {  	lr =	sadd.s32 s0, s3;
	s0 =	sld [smem:$0x3FAA]  }
0x30: {  	s3 =	sld [smem:$0x3FAD]  }
0x31: {  	[smem:$0x3FB6] =	sst s10  }
0x32: {  	s10 =	sld [smem:$0x3FB4];
	_ =	sdelay $0x3  }
0x33: {  	p0 =	seq.s32 s10, $0x1;
	s10 =	sld [smem:$0x3FB6];
	_ =	sdelay $0x3  }
0x34: {  	[smem:$0x3FB6] =	sst s10  }
0x35: {  	s10 =	sld [smem:$0x3FB5];
	_ =	sdelay $0x3  }
0x36: {  	p1 =	seq.s32 s10, $0x1;
	s10 =	sld [smem:$0x3FB6];
	_ =	sdelay $0x3  }
0x37: {  	[smem:$0x3FB6] =	sst s10  }
0x38: {  	s10 =	sld [smem:$0x3FB7]  }
0x39: {  	_ = 	snop;
	(pc) =	sbr.ind lr, $3  }
0x3a: {  	_ = 	snop  }
0x3b: {  	_ = 	snop  }
0x3c: {  	p2 =	seq.s32 s10, $0x1;
	s10 =	sld [smem:$0x3FB6]  }
0x3d: {  	_ =	shalt  }
0x3e: {  	_ =	shalt  }
0x3f: {  	_ =	shalt  }
0x40: {  	_ =	shalt  }
0x41: {  	_ =	shalt  }
0x42: {  	_ =	shalt  }
0x43: {  	_ =	shalt  }
0x44: {  	_ =	shalt  }
0x45: {  	_ =	shalt  }
0x46: {  	_ =	shalt  }
0x47: {  	_ =	shalt  }
0x48: {  	_ =	shalt  }
0x49: {  	_ =	shalt  }
0x4a: {  	_ =	shalt  }
0x4b: {  	_ =	shalt  }
0x4c: {  	_ =	shalt  }
0x4d: {  	_ =	shalt  }
0x4e: {  	_ =	shalt  }
0x4f: {  	_ =	shalt  }
0x50: {  	_ =	shalt  }
0x51: {  	_ =	shalt  }
0x52: {  	_ =	shalt  }
0x53: {  	_ =	shalt  }
0x54: {  	_ =	shalt  }
0x55: {  	_ =	shalt  }
0x56: {  	_ =	shalt  }
0x57: {  	_ =	shalt  }
0x58: {  	_ =	shalt  }
0x59: {  	_ =	shalt  }
0x5a: {  	_ =	shalt  }
0x5b: {  	_ =	shalt  }
0x5c: {  	_ =	shalt  }
0x5d: {  	_ =	shalt  }
0x5e: {  	_ =	shalt  }
0x5f: {  	_ =	shalt  }
0x60: {  	_ =	shalt  }
0x61: {  	_ =	shalt  }
0x62: {  	_ =	shalt  }
0x63: {  	_ =	shalt  }
0x64: {  	_ =	shalt  }
0x65: {  	_ =	shalt  }
0x66: {  	_ =	shalt  }
0x67: {  	_ =	shalt  }
0x68: {  	_ =	shalt  }
0x69: {  	_ =	shalt  }
0x6a: {  	_ =	shalt  }
0x6b: {  	_ =	shalt  }
0x6c: {  	_ =	shalt  }
0x6d: {  	_ =	shalt  }
0x6e: {  	_ =	shalt  }
0x6f: {  	_ =	shalt  }
0x70: {  	_ =	shalt  }
0x71: {  	_ =	shalt  }
0x72: {  	_ =	shalt  }
0x73: {  	_ =	shalt  }
0x74: {  	_ =	shalt  }
0x75: {  	_ =	shalt  }
0x76: {  	_ =	shalt  }
0x77: {  	_ =	shalt  }
0x78: {  	_ =	shalt  }
0x79: {  	_ =	shalt  }
0x7a: {  	_ =	shalt  }
0x7b: {  	_ =	shalt  }
0x7c: {  	_ =	shalt  }
0x7d: {  	_ =	shalt  }
0x7e: {  	_ =	shalt  }
0x7f: {  	_ =	shalt  }
0x80: {  	_ =	shalt  }
0x81: {  	_ =	shalt  }
0x82: {  	_ =	shalt  }
0x83: {  	_ =	shalt  }
0x84: {  	_ =	shalt  }
0x85: {  	_ =	shalt  }
0x86: {  	_ =	shalt  }
0x87: {  	_ =	shalt  }
.Lfunc_end0:
.L_simem_size_0:
called_computation_lowered:
.L_overlay_start_0:
0x88: {  	s2 =	sld [smem:$0x3FD9]  }
0x89: {  	s3 =	sld [smem:$0x3FFE];
	_ =	sdelay $0x1  }
0x8a: {  	s1 =	srdreg.scid  }
0x8b: {  	s0 =	sand.u32 $0x1, s1  }
0x8c: {  	s16 =	sshll.u32 s0, $0xA;
	s2 =	sadd.s32 s3, s2  }
0x8d: {  	s2 =	sadd.s32 s2, s16  }
0x8e: {  	[smem:$0x3FC2] =	sst s2  }
0x8f: {  	_ = 	snop  }
0x90: {  	(tm) =	ssettm $0x1  }
0x91: {  	s17 =	sld [smem:$0x3FFB];
	_ =	sdelay $0x3  }
0x92: {  	_ =	strace s17  }
0x93: {  	s2 =	sld [smem:$0x3FFC];
	_ =	sdelay $0x3  }
0x94: {  	_ =	strace s2  }
0x95: {  	s2 =	sld [smem:$0x3FFD];
	_ =	sdelay $0x3  }
0x96: {  	_ =	strace s2  }
0x97: {  	_ =	strace $0x8FFFFFFF  }
0x98: {  	s18 =	sld [smem:$0x3FDB];
	_ =	sdelay $0x1  }
0x99: {  	s19 =	simm.s32 $_scs_section_size  }
0x9a: {  	s4 =	simm.s32 $_size__tile_overlayer_lowered;
	s5 =	simm.s32 $_tile_overlayer_lowered  }
0x9b: {  	s22 =	simm.s32 $0x1BFF;
	s21 =	sshll.u32 s5, $0x1;
	s2 =	sadd.s32 s19, s18  }
0x9c: {  	s6 =	simm.s32 $0x0;
	s20 =	sshll.u32 s4, $0x1;
	s4 =	sadd.s32 s21, s2  }
0x9d: {  	[timem:s6], [sflag:s22] =	dma.local [hbm:s4], s20  }
0x9e: {  	_ =	swait.ge [sflag:s22], s20  }
0x9f: {  	s3 =	ssub.s32 $0x0, s20;
	[sflag:s22] =	ssyncset.done $0x0  }
0xa0: {  	[sflag:s22] =	ssyncadd.s32 s3;
	_ =	sdelay $0x1  }
0xa1: {  	s23 =	simm.s32 $0x1B8B  }
0xa2: {  	_ =	swait.ge [sflag:s23], $0x1  }
0xa3: {  	[sflag:s23] =	ssyncset.done $0x0  }
0xa4: {  	s25 =	simm.s32 $0x1B8E;
	s24 =	sld [smem:$0x3FFE];
	[sflag:s23] =	ssyncadd.s32 $0xFFFFFFFF  }
0xa5: {  	s26 =	simm.s32 $execute0_lowered;
	[smem:$0x3FD2] =	sst s25  }
0xa6: {  	s4 =	sshll.u32 s26, $0x1;
	_ =	strace $0x80000046;
	[dreg:$0x1] =	wrdreg $0xFFFFFFFF  }
0xa7: {  	s28 =	simm.s32 $_size_execute0_lowered;
	s2 =	sadd.s32 s2, s4;
	[dreg:$0x0] =	wrdreg $0x0  }
0xa8: {  	s4 =	sshll.u32 s28, $0x1;
	[dreg:$0x2] =	wrdreg s2  }
0xa9: {  	[dreg:$0x3] =	wrdreg s4  }
0xaa: {  	[dreg:$0x4] =	wrdreg $0xC0  }
0xab: {  	_ =	task [dreg:s6], $0x5FFFF  }
0xac: {  	[dreg:$0x1] =	wrdreg $0xFFFFFFFF  }
0xad: {  	[dreg:$0x0] =	wrdreg $0x60  }
0xae: {  	[dreg:$0x2] =	wrdreg s24  }
0xaf: {  	[dreg:$0x3] =	wrdreg $0x9000  }
0xb0: {  	[dreg:$0x4] =	wrdreg $0x9  }
0xb1: {  	_ =	task.clear_ibuf [dreg:s6], $0x5FFFF;
	_ =	strace $0x90000046  }
0xb2: {  	s29 =	simm.s32 $0x9;
	_ =	strace $0x80000048  }
0xb3: {  	_ =	swait.ge [sflag:s29], $0x1  }
0xb4: {  	[sflag:s29] =	ssyncadd.s32 $0xFFFFFFFF  }
0xb5: {  	_ =	strace $0x90000048  }
0xb6: {  	_ =	sfence  }
0xb7: {  	s30 =	sld [smem:$0x0];
	_ =	sdelay $0x2  }
0xb8: {  	s31 =	sshll.u32 s1, $0xD;
	s1 =	sshrl.u32 s1, $0x2  }
0xb9: {  	s3 =	sand.u32 $0x4000, s31;
	s1 =	sadd.s32 s1, s30  }
0xba: {  	s0 =	sor.u32 s3, s0;
	s1 =	sshll.u32 s1, $0x11  }
0xbb: {  	s0 =	sor.u32 s1, s0  }
0xbc: {  	s0 =	sadd.s32 $0x8F2B, s0  }
0xbd: {  	[sflag:s0] =	ssyncadd.remote.s32 $0x1  }
0xbe: {  	_ =	sfence.sel $0xFFFF  }
0xbf: {  	[dreg:$0x0] =	wrdreg $0xFFFFFFFF;
	(pc) =	sbr.abs _section_cstart, $3  }
0xc0: {  	[dreg:$0x1] =	wrdreg $0xFFFFFFFF  }
0xc1: {  	_ =	task.clear_ibuf [dreg:s6], $0x2FFFF;
	_ =	strace $0x9FFFFFFF  }
0xc2: {  	(tm) =	ssettm $0x7FFFFFFF  }
0xc3: {  	_ =	shalt  }
tec
execute0_lowered:
.L_overlay_start_1:
0x0: {  	(tag) =	ssettag $0x1  }
0x1: {  	s4 =	rddreg [dreg:$0x0];
	s1 =	srdreg.scid  }
0x2: {  	s0 =	stileid.u32;
	s2 =	rddreg [dreg:$0x1]  }
0x3: {  	s3 =	simm.s32 $0x0;
	s17 =	simm.s32 $0x880;
	s18 =	simm.s32 $0x3  }
0x4: {  	s19 =	simm.s32 $0x80;
	s20 =	simm.s32 $0x4;
	s21 =	simm.s32 $0x1  }
0x5: {  	s22 =	simm.s32 $0x2;
	s23 =	simm.s32 $0x0;
	s5 =	smul.u32 $0x2800, s0  }
0x6: {  	s6 =	sand.u32 $0x1, s1;
	s1 =	rddreg [dreg:$0x2];
	s9 =	smul.u32 $0xA000, s0  }
0x7: {  	[smem:$0x7FF] =	sst s3;
	s14 =	sadd.s32 $0x1E00, s4;
	s13 =	smul.u32 $0x5000, s0  }
0x8: {  	s8 =	sshll.u32 s0, $0x1;
	s7 =	smul.u32 $0x28000, s6;
	_ =	strace $0x80000047  }
0x9: {  	s25 =	ssub.s32 $0x2, s6;
	s26 =	sor.u32 s6, s8;
	s15 =	smul.u32 $0x2800, s6  }
0xa: {  	s28 =	sshrl.u32 s25, $0x1;
	s10 =	smul.u32 $0x2800, s26;
	s29 =	sshrl.u32 s9, $0x2  }
0xb: {  	s7 =	sadd.s32 s5, s7;
	s12 =	ssub.s32 s25, s28;
	s30 =	sadd.s32 s29, s2  }
0xc: {  	s13 =	sadd.s32 s15, s13;
	s7 =	sshrl.u32 s7, $0x3;
	s6 =	sadd.s32 $0x1000, s30  }
0xd: {  	s31 =	sshrl.u32 s10, $0x3;
	s8 =	sadd.s32 $0x2000, s30;
	s15 =	sor.u32 $0x180, s13  }
0xe: {  	s13 =	sor.u32 $0x100, s13;
	s12 =	smax.u32 s12, $0x1;
	s11 =	sadd.s32 s7, s4  }
0xf: {  	s4 =	sadd.s32 s5, s2;
	s5 =	sadd.s32 $0x800, s30;
	s7 =	sadd.s32 $0x1800, s30  }
0x10: {  	s9 =	sadd.s32 s14, s31;
	s15 =	sshrl.u32 s15, $0x3;
	s16 =	sshrl.u32 s13, $0x3  }
0x11: {  	s10 =	sadd.s32 $0x10, s9;
	s11 =	sadd.s32 $0x15E00, s11;
	s13 =	sadd.s32 s15, s14  }
0x12: {  	v0 =	vimm.f32 $0.0e+00;
	v1 =	vimm.f32 $1.000000000e+00;
	s14 =	sadd.s32 s16, s14;
	s15 =	simm.s32 $0x5;
	s16 =	simm.s32 $0x800  }
.LBB2_1:
0x13: {  	s24 =	simm.s32 $0x40;
	s25 =	simm.s32 $0x0  }
.LBB2_2:
0x14: {  	p0 =	sne.s32 s24, $0x1FC0;
	[tilespmem:s25+$0x0] =	vst v0;
	s25 =	smov.u32 s24;
	s24 =	sadd.s32 $0x40, s24  }
.Ltmp0:
0x15: {  	(pc) =	sbr.rel @p0 .LBB2_2-.Ltmp0, $2  }
0x16: {  	_ =	sdelay $0x2  }
0x17: {  	s25 =	sshra.s32 s25, $0x2  }
0x18: {  	[tilespmem:s25+$0x0] =	vst v0;
	s24 =	simm.s32 $0x0  }
0x19: {  	[spmem:s4] =	stream.linear.scatter [tilespmem:s24], [sflag:$0x5], $0x800, $0x38;
	[tilespmem:$0x3100] =	vst v63  }
0x1a: {  	_ =	swait.ge [sflag:s15], $0x800  }
0x1b: {  	[sflag:s15] =	ssyncset.done $0x0  }
0x1c: {  	[sflag:s15] =	ssyncadd.s32 $0xFFFFF800  }
0x1d: {  	[spmem:s5] =	stream.linear.scatter [tilespmem:s24], [sflag:$0x5], $0x800, $0x38;
	[tilespmem:$0x3100] =	vst v63  }
0x1e: {  	_ =	swait.ge [sflag:s15], $0x800  }
0x1f: {  	[sflag:s15] =	ssyncset.done $0x0  }
0x20: {  	[sflag:s15] =	ssyncadd.s32 $0xFFFFF800  }
0x21: {  	[spmem:s6] =	stream.linear.scatter [tilespmem:s24], [sflag:$0x5], $0x800, $0x38;
	[tilespmem:$0x3100] =	vst v63  }
0x22: {  	_ =	swait.ge [sflag:s15], $0x800  }
0x23: {  	[sflag:s15] =	ssyncset.done $0x0  }
0x24: {  	[sflag:s15] =	ssyncadd.s32 $0xFFFFF800  }
0x25: {  	[spmem:s7] =	stream.linear.scatter [tilespmem:s24], [sflag:$0x5], $0x800, $0x38;
	[tilespmem:$0x3100] =	vst v63  }
0x26: {  	_ =	swait.ge [sflag:s15], $0x800  }
0x27: {  	[sflag:s15] =	ssyncset.done $0x0  }
0x28: {  	[sflag:s15] =	ssyncadd.s32 $0xFFFFF800  }
0x29: {  	[spmem:s8] =	stream.linear.scatter [tilespmem:s24], [sflag:$0x5], $0x800, $0x38;
	[tilespmem:$0x3100] =	vst v63  }
0x2a: {  	_ =	swait.ge [sflag:s15], $0x800  }
0x2b: {  	[sflag:s15] =	ssyncset.done $0x0  }
0x2c: {  	[sflag:s15] =	ssyncadd.s32 $0xFFFFF800  }
0x2d: {  	s25 =	simm.s32 $0x0;
	s24 =	simm.s32 $0x40;
	[bflag:$0x0] =	sbarrier.arrive $0xFFFF  }
.LBB2_4:
0x2e: {  	p0 =	sne.s32 s24, $0x1FC0;
	[tilespmem:s25+$0x0] =	vst v1;
	s25 =	smov.u32 s24;
	s24 =	sadd.s32 $0x40, s24  }
.Ltmp1:
0x2f: {  	(pc) =	sbr.rel @p0 .LBB2_4-.Ltmp1, $2  }
0x30: {  	_ =	sdelay $0x2  }
0x31: {  	s25 =	sshra.s32 s25, $0x2  }
0x32: {  	[tilespmem:s25+$0x0] =	vst v1;
	s24 =	simm.s32 $0x0  }
0x33: {  	[tilespmem:s16], [sflag:$0x3] =	stream.linear.gather [hbm4b:s9+s24], $0x80, $0x38;
	[tilespmem:$0x3100] =	vst v63  }
0x34: {  	_ = 	snop  }
0x35: {  	[tilespmem:s17], [sflag:$0x4] =	stream.linear.gather [hbm4b:s10+s24], $0x80, $0x38;
	[tilespmem:$0x3100] =	vst v63  }
0x36: {  	_ =	swait.ge [sflag:s18], $0x80  }
0x37: {  	[sflag:s18] =	ssyncset.done $0x0  }
0x38: {  	[sflag:s18] =	ssyncadd.s32 $0xFFFFFF80  }
0x39: {  	[spmem:s2] =	stream.indirect.scatter.add.f32 [tilespmem:s3], [sflag:$0x1], $0x10, s16, s19, $0xb8;
	[tilespmem:$0x3100] =	vst v63  }
0x3a: {  	_ =	swait.ge [sflag:s20], $0x80  }
0x3b: {  	[sflag:s20] =	ssyncset.done $0x0  }
0x3c: {  	[sflag:s20] =	ssyncadd.s32 $0xFFFFFF80  }
0x3d: {  	[spmem:s2] =	stream.indirect.scatter.add.f32 [tilespmem:s3], [sflag:$0x2], $0x10, s17, s19, $0xb8;
	[tilespmem:$0x3100] =	vst v63  }
0x3e: {  	_ =	swait.ge [sflag:s21], $0x800  }
0x3f: {  	[sflag:s21] =	ssyncset.done $0x0  }
0x40: {  	s31 =	sadd.s32 $0x0, s14;
	[sflag:s21] =	ssyncadd.s32 $0xFFFFF800  }
0x41: {  	[tilespmem:s16], [sflag:$0x3] =	stream.linear.gather [hbm4b:s31+s3], $0x80, $0x38;
	[tilespmem:$0x3100] =	vst v63  }
0x42: {  	_ =	swait.ge [sflag:s22], $0x800  }
0x43: {  	[sflag:s22] =	ssyncset.done $0x0  }
0x44: {  	s25 =	sadd.s32 $0x0, s13;
	s24 =	simm.s32 $0x20;
	[sflag:s22] =	ssyncadd.s32 $0xFFFFF800  }
.LBB2_6:
0x45: {  	[tilespmem:s17], [sflag:$0x4] =	stream.linear.gather [hbm4b:s25+s3], $0x80, $0x38;
	[tilespmem:$0x3100] =	vst v63  }
0x46: {  	s25 =	smov.u32 s24  }
0x47: {  	p0 =	sne.s32 s24, $0x4C0;
	s24 =	sadd.s32 $0x20, s24;
	_ =	swait.ge [sflag:s18], $0x80  }
0x48: {  	[sflag:s18] =	ssyncset.done $0x0  }
0x49: {  	[sflag:s18] =	ssyncadd.s32 $0xFFFFFF80  }
0x4a: {  	[spmem:s2] =	stream.indirect.scatter.add.f32 [tilespmem:s3], [sflag:$0x1], $0x10, s16, s19, $0xb8;
	[tilespmem:$0x3100] =	vst v63  }
0x4b: {  	_ =	swait.ge [sflag:s20], $0x80  }
0x4c: {  	[sflag:s20] =	ssyncset.done $0x0  }
0x4d: {  	[sflag:s20] =	ssyncadd.s32 $0xFFFFFF80  }
0x4e: {  	[spmem:s2] =	stream.indirect.scatter.add.f32 [tilespmem:s3], [sflag:$0x2], $0x10, s17, s19, $0xb8;
	[tilespmem:$0x3100] =	vst v63  }
0x4f: {  	_ =	swait.ge [sflag:s21], $0x800  }
0x50: {  	[sflag:s21] =	ssyncset.done $0x0  }
.Ltmp2:
0x51: {  	s26 =	sadd.s32 s25, s14;
	[sflag:s21] =	ssyncadd.s32 $0xFFFFF800;
	(pc) =	sbr.rel @p0 .LBB2_6-.Ltmp2, $4  }
0x52: {  	[tilespmem:s16], [sflag:$0x3] =	stream.linear.gather [hbm4b:s26+s3], $0x80, $0x38;
	[tilespmem:$0x3100] =	vst v63  }
0x53: {  	_ =	swait.ge [sflag:s22], $0x800  }
0x54: {  	[sflag:s22] =	ssyncset.done $0x0  }
0x55: {  	s25 =	sadd.s32 s25, s13;
	[sflag:s22] =	ssyncadd.s32 $0xFFFFF800  }
0x56: {  	[tilespmem:s17], [sflag:$0x4] =	stream.linear.gather [hbm4b:s25+s3], $0x80, $0x38;
	[tilespmem:$0x3100] =	vst v63  }
0x57: {  	_ =	swait.ge [sflag:s18], $0x80  }
0x58: {  	[sflag:s18] =	ssyncset.done $0x0  }
0x59: {  	[sflag:s18] =	ssyncadd.s32 $0xFFFFFF80  }
0x5a: {  	[spmem:s2] =	stream.indirect.scatter.add.f32 [tilespmem:s3], [sflag:$0x1], $0x10, s16, s19, $0xb8;
	[tilespmem:$0x3100] =	vst v63  }
0x5b: {  	_ =	swait.ge [sflag:s20], $0x80  }
0x5c: {  	[sflag:s20] =	ssyncset.done $0x0  }
0x5d: {  	[sflag:s20] =	ssyncadd.s32 $0xFFFFFF80  }
0x5e: {  	[spmem:s2] =	stream.indirect.scatter.add.f32 [tilespmem:s3], [sflag:$0x2], $0x10, s17, s19, $0xb8;
	[tilespmem:$0x3100] =	vst v63  }
0x5f: {  	_ =	swait.ge [sflag:s21], $0x800  }
0x60: {  	[sflag:s21] =	ssyncset.done $0x0  }
0x61: {  	[sflag:s21] =	ssyncadd.s32 $0xFFFFF800  }
0x62: {  	_ =	swait.ge [sflag:s22], $0x800  }
0x63: {  	s24 =	sshll.u32 s0, $0x6;
	s23 =	sadd.s32 $0x1, s23;
	[sflag:s22] =	ssyncset.done $0x0  }
0x64: {  	s31 =	sshrl.u32 s4, $0x3;
	p0 =	sne.s32 s23, s12;
	[sflag:s22] =	ssyncadd.s32 $0xFFFFF800  }
.Ltmp3:
0x65: {  	s24 =	sor.u32 $0x1C05, s24;
	[bflag:$0x0] =	sbarrier.arrive $0xFFFF;
	(pc) =	sbr.rel @p0 .LBB2_1-.Ltmp3, $4  }
0x66: {  	[hbm:s11], [sflag:s24] =	dma.local [spmem:s31], $0x500  }
0x67: {  	_ =	swait.ge [sflag:s15], $0x500  }
0x68: {  	[sflag:s15] =	ssyncset.done $0x0  }
0x69: {  	[sflag:s15] =	ssyncadd.s32 $0xFFFFFB00  }
0x6a: {  	_ =	sfence.sel $0x180000  }
0x6b: {  	[bflag:$0x0] =	sbarrier.arrive $0xFFFF  }
0x6c: {  	p0 =	sne.s32 s0, $0x0;
	_ =	strace $0x90000047  }
0x6d: {  	s0 =	sadd.s32 @!p0 $0x100000, s1;
	[bflag:$0x2] =	sbarrier.arrive $0xFFFF  }
0x6e: {  	[sflag:s0] =	ssyncadd.tile.s32 @!p0 $0x1;
	_ =	shalt  }
.Lfunc_end2:
_tile_overlayer_lowered:
.L_overlay_start_2:
0x6f: {  	(tag) =	ssettag $0x2  }
0x70: {  	s0 =	rddreg [dreg:$0x0];
	s2 =	stileid.u32  }
0x71: {  	s1 =	rddreg [dreg:$0x1];
	p0 =	sne.s32 s2, $0x0  }
0x72: {  	s3 =	rddreg [dreg:$0x2];
	[bflag:$0x3] =	sbarrier.arrive $0xFFFF;
	s2 =	simm.s32 @!p0 $0x1C05  }
0x73: {  	[timem:s3], [sflag:s2] =	dma.local @!p0 [hbm:s0], s1  }
0x74: {  	s0 =	simm.s32 @!p0 $0x5  }
0x75: {  	_ =	swait.ge @!p0 [sflag:s0], s1  }
0x76: {  	s1 =	ssub.s32 @!p0 $0x0, s1;
	[sflag:s0] =	ssyncset.done @!p0 $0x0  }
0x77: {  	[sflag:s0] =	ssyncadd.s32 @!p0 s1  }
0x78: {  	[bflag:$0x3] =	sbarrier.arrive $0xFFFF  }
0x79: {  	_ =	shalt  }

</sc_bundles>
